<compile_context>
chip_gen: v7x
topology: tpu7x:2x2x1
jax: 0.10.2.dev20260603
libtpu: 0.0.44.dev20260713+nightly
codegen_flags: <defaults>
</compile_context>

<pallas_src>
import functools

import jax
import jax.numpy as jnp
from jax import lax
from jax.experimental import pallas as pl
from jax.experimental.pallas import tpu as pltpu
from jax.experimental.pallas import tpu_sc as plsc

N = 16384
K = 8192
D = 256

RB = 2048
CB = 512
NR = N // RB
NCB = K // CB

W_BOUNDS = (0, 2736, 5472, 8192)

SC_CORES = 2
SC_SUBCORES = 16
NW = SC_CORES * SC_SUBCORES
BPW = N // NW
CH = 128
NCH = BPW // CH


def _dist_argmin_body(e2_ref, x_ref, em_ref, idx_ref):
    x = x_ref[...]
    x2 = jnp.sum(x * x, axis=1)
    pos_inf = jnp.float32(jnp.inf)
    bigf = jnp.float32(2 * K)
    jf = lax.broadcasted_iota(jnp.int32, (RB, CB), 1).astype(jnp.float32)

    ms = [None, None, None]
    is_ = [None, None, None]
    for c in range(NCB):
        b0, b1 = c * CB, (c + 1) * CB
        em = em_ref[pl.ds(b0, CB), :] * jnp.float32(-2.0)
        e2 = e2_ref[pl.ds(b0, CB)]
        dotn = lax.dot_general(x, em, (((1,), (1,)), ((), ())),
                               preferred_element_type=jnp.float32)
        t = (x2[:, None] + dotn) + e2[None, :]
        for w in range(3):
            lo, hi = W_BOUNDS[w], W_BOUNDS[w + 1]
            if hi <= b0 or lo >= b1:
                continue
            if lo <= b0 and hi >= b1:
                tw = t
            else:
                mask = (jf >= jnp.float32(lo - b0)) & (jf < jnp.float32(hi - b0))
                tw = jnp.where(mask, t, pos_inf)
            lmin = jnp.min(tw, axis=1)
            larg = (jnp.min(jnp.where(tw == lmin[:, None], jf, bigf), axis=1)
                    + jnp.float32(b0))
            if ms[w] is None:
                ms[w], is_[w] = lmin, larg
            else:
                better = lmin < ms[w]
                ms[w] = jnp.where(better, lmin, ms[w])
                is_[w] = jnp.where(better, larg, is_[w])

    m = ms[0].astype(jnp.bfloat16).astype(jnp.float32)
    i = is_[0]
    b1_ = ms[1] < m
    m = jnp.where(b1_, ms[1], m)
    i = jnp.where(b1_, is_[1], i)
    m = m.astype(jnp.bfloat16).astype(jnp.float32)
    b2_ = ms[2] < m
    i = jnp.where(b2_, is_[2], i)
    idx_ref[...] = i.astype(jnp.int32)


_dist_argmin = pl.pallas_call(
    _dist_argmin_body,
    grid=(NR,),
    in_specs=[
        pl.BlockSpec((K,), lambda r: (0,)),
        pl.BlockSpec((RB, D), lambda r: (r, 0)),
        pl.BlockSpec((K, D), lambda r: (0, 0)),
    ],
    out_specs=pl.BlockSpec((RB,), lambda r: (r,)),
    out_shape=jax.ShapeDtypeStruct((N,), jnp.int32),
    compiler_params=pltpu.CompilerParams(
        dimension_semantics=("arbitrary",)),
)


def _gather_body(idx_hbm, tab_hbm, out_hbm, idx_v, buf_a, buf_b, sem_a, sem_b):
    wid = lax.axis_index("s") * SC_CORES + lax.axis_index("c")
    base = wid * BPW
    pltpu.sync_copy(idx_hbm.at[wid], idx_v)
    bufs = (buf_a, buf_b)
    sems = (sem_a, sem_b)
    copies = []
    for j in range(NCH):
        b = j % 2
        if j >= 2:
            copies[j - 2].wait()
            pltpu.sync_copy(bufs[b], out_hbm.at[pl.ds(base + (j - 2) * CH, CH)])
        copies.append(
            pltpu.async_copy(tab_hbm.at[idx_v.at[j]], bufs[b], sems[b]))
    for j in range(NCH - 2, NCH):
        copies[j].wait()
        pltpu.sync_copy(bufs[j % 2], out_hbm.at[pl.ds(base + j * CH, CH)])


@functools.cache
def _make_gather():
    return functools.partial(
        pl.kernel,
        mesh=plsc.VectorSubcoreMesh(core_axis_name="c", subcore_axis_name="s"),
        out_type=jax.ShapeDtypeStruct((N, D), jnp.float32),
        scratch_types=[
            pltpu.VMEM((NCH, CH), jnp.int32),
            pltpu.VMEM((CH, D), jnp.float32),
            pltpu.VMEM((CH, D), jnp.float32),
            pltpu.SemaphoreType.DMA,
            pltpu.SemaphoreType.DMA,
        ],
    )(_gather_body)


def kernel(input_tensor, emb_weights):
    flat = input_tensor.reshape(N, D)
    e2 = jnp.sum(emb_weights.T ** 2, axis=0)
    idx = _dist_argmin(e2, flat, emb_weights)
    quantized = _make_gather()(idx.reshape(NW, NCH, CH), emb_weights)
    return quantized.reshape(input_tensor.shape)

# --- scband reference (transcript-rebuilt; emitter-appended) ---
"""Pipeline reference for scband-vector-quantizer-ema-68324339745377 (READ-ONLY COPY).

The authoritative reference and input builder live on the scoring server;
editing this copy changes nothing except your own understanding.
"""

import jax, jax.numpy as jnp
import numpy as np


def setup_inputs(seed: int = 0) -> dict:
    key = jax.random.key(seed)
    k1, k2 = jax.random.split(key)
    input_tensor = jax.random.normal(k1, (16, 32, 32, 256), dtype=jnp.float32)
    # he_normal init for codebook: std = sqrt(2 / fan_in), fan_in = embedding_dim
    emb_weights = jax.random.normal(k2, (8192, 256), dtype=jnp.float32) * np.sqrt(2.0 / 256.0)
    return {"input_tensor": input_tensor, "emb_weights": emb_weights}


def reference(input_tensor, emb_weights):
    embedding_dim = emb_weights.shape[1]
    num_embeddings = emb_weights.shape[0]
    flat_inputs = input_tensor.reshape(-1, embedding_dim)
    distances = (
        jnp.sum(flat_inputs ** 2, axis=1, keepdims=True)
        - 2.0 * jnp.matmul(flat_inputs, emb_weights.T)
        + jnp.sum(emb_weights.T ** 2, axis=0, keepdims=True)
    )
    encoding_indices = jnp.argmax(-distances, axis=1)
    encodings = jax.nn.one_hot(encoding_indices, num_embeddings, dtype=input_tensor.dtype)
    enc_idx = encoding_indices.reshape(input_tensor.shape[:-1])
    quantized = jnp.take(emb_weights, enc_idx, axis=0)
    # straight-through estimator
    quantized = input_tensor + jax.lax.stop_gradient(quantized - input_tensor)
    return quantized

if __name__ == "__main__":
    import jax
    _d = setup_inputs()
    print(jax.jit(kernel)(*tuple(_d.values())))

</pallas_src>

<mosaic_0001>
#map = affine_map<(d0, d1) -> (0, 0, 0)>
#map1 = affine_map<(d0, d1) -> (0, 0)>
module attributes {stable_mosaic.version = 14 : i64} {
  func.func @_gather_body(%arg0: i32, %arg1: i32, %arg2: memref<32x4x128xi32, #tpu.memory_space<hbm>>, %arg3: memref<8192x256xf32, #tpu.memory_space<hbm>>, %arg4: memref<16384x256xf32, #tpu.memory_space<hbm>>, %arg5: memref<4x128xi32, #tpu.memory_space<vmem>>, %arg6: memref<128x256xf32, #tpu.memory_space<vmem>>, %arg7: memref<128x256xf32, #tpu.memory_space<vmem>>, %arg8: memref<!tpu.dma_semaphore, #tpu.memory_space<semaphore_mem>>, %arg9: memref<!tpu.dma_semaphore, #tpu.memory_space<semaphore_mem>>) attributes {dimension_semantics = [#tpu.dimension_semantics<core_parallel>, #tpu.dimension_semantics<subcore_parallel>], iteration_bounds = array<i64: 2, 16>, scalar_prefetch = 0 : i64, scratch_operands = 5 : i64, tpu.core_type = #tpu.core_type<sc_vector_subcore>, window_params = [{transform_indices = #map}, {transform_indices = #map1}, {transform_indices = #map1}]} {
    %mul3A = arith.constant 2 : i32
    %mul3A_0 = arith.muli %arg1, %mul3A : i32
    %add3A = arith.addi %mul3A_0, %arg0 : i32
    %mul3A_1 = arith.constant 512 : i32
    %mul3A_2 = arith.muli %add3A, %mul3A_1 : i32
    "tpu.region"() ({
      %run_scoped3A = tpu.sem_alloc : memref<!tpu.dma_semaphore, #tpu.memory_space<semaphore_mem>>
      %dma_start3A_65 = arith.constant 0 : i32
      %dma_start3A_66 = arith.constant 0 : i32
      %dma_start3A_67 = tpu.memref_slice %arg2[%add3A, %dma_start3A_65, %dma_start3A_66] : memref<32x4x128xi32, #tpu.memory_space<hbm>> -> memref<1x4x128xi32, #tpu.memory_space<hbm>>
      %dma_start3A_68 = tpu.memref_squeeze %dma_start3A_67 : memref<1x4x128xi32, #tpu.memory_space<hbm>> -> memref<4x128xi32, #tpu.memory_space<hbm>>
      %dma_start3A_69 = arith.constant 0 : i32
      %dma_start3A_70 = arith.constant 0 : i32
      %dma_start3A_71 = tpu.memref_slice %arg2[%add3A, %dma_start3A_69, %dma_start3A_70] : memref<32x4x128xi32, #tpu.memory_space<hbm>> -> memref<1x4x128xi32, #tpu.memory_space<hbm>>
      %dma_start3A_72 = tpu.memref_squeeze %dma_start3A_71 : memref<1x4x128xi32, #tpu.memory_space<hbm>> -> memref<4x128xi32, #tpu.memory_space<hbm>>
      tpu.enqueue_dma source(%dma_start3A_72 : memref<4x128xi32, #tpu.memory_space<hbm>>) target(%arg5 : memref<4x128xi32, #tpu.memory_space<vmem>>) target_semaphore(%run_scoped3A : memref<!tpu.dma_semaphore, #tpu.memory_space<semaphore_mem>>)
      %dma_wait3A_73 = arith.constant 0 : i32
      %dma_wait3A_74 = arith.constant 0 : i32
      %dma_wait3A_75 = tpu.memref_slice %arg2[%add3A, %dma_wait3A_73, %dma_wait3A_74] : memref<32x4x128xi32, #tpu.memory_space<hbm>> -> memref<1x4x128xi32, #tpu.memory_space<hbm>>
      %dma_wait3A_76 = tpu.memref_squeeze %dma_wait3A_75 : memref<1x4x128xi32, #tpu.memory_space<hbm>> -> memref<4x128xi32, #tpu.memory_space<hbm>>
      %dma_wait3A_77 = arith.constant 0 : i32
      %dma_wait3A_78 = arith.constant 0 : i32
      %dma_wait3A_79 = tpu.memref_slice %arg2[%add3A, %dma_wait3A_77, %dma_wait3A_78] : memref<32x4x128xi32, #tpu.memory_space<hbm>> -> memref<1x4x128xi32, #tpu.memory_space<hbm>>
      %dma_wait3A_80 = tpu.memref_squeeze %dma_wait3A_79 : memref<1x4x128xi32, #tpu.memory_space<hbm>> -> memref<4x128xi32, #tpu.memory_space<hbm>>
      tpu.wait_dma2 semaphore(%run_scoped3A : memref<!tpu.dma_semaphore, #tpu.memory_space<semaphore_mem>>) src(%dma_wait3A_80 : memref<4x128xi32, #tpu.memory_space<hbm>>) dst(%arg5 : memref<4x128xi32, #tpu.memory_space<vmem>>)
      tpu.yield
    }) : () -> ()
    %dma_start3A = arith.constant 0 : i32
    %dma_start3A_3 = arith.constant 0 : i32
    %dma_start3A_4 = tpu.memref_slice %arg5[%dma_start3A, %dma_start3A_3] : memref<4x128xi32, #tpu.memory_space<vmem>> -> memref<1x128xi32, #tpu.memory_space<vmem>>
    %dma_start3A_5 = tpu.memref_squeeze %dma_start3A_4 : memref<1x128xi32, #tpu.memory_space<vmem>> -> memref<128xi32, #tpu.memory_space<vmem>>
    %dma_start3A_6 = arith.constant 0 : i32
    %dma_start3A_7 = arith.constant 0 : i32
    %dma_start3A_8 = tpu.memref_slice %arg3[%dma_start3A_6, %dma_start3A_7] : memref<8192x256xf32, #tpu.memory_space<hbm>> -> memref<8192x256xf32, #tpu.memory_space<hbm>>
    tpu.enqueue_indirect_dma source(%dma_start3A_8 : memref<8192x256xf32, #tpu.memory_space<hbm>>) target(%arg6 : memref<128x256xf32, #tpu.memory_space<vmem>>) offsets(%dma_start3A_5 : memref<128xi32, #tpu.memory_space<vmem>>) semaphore(%arg8 : memref<!tpu.dma_semaphore, #tpu.memory_space<semaphore_mem>>)
    %dma_start3A_9 = arith.constant 1 : i32
    %dma_start3A_10 = arith.constant 0 : i32
    %dma_start3A_11 = tpu.memref_slice %arg5[%dma_start3A_9, %dma_start3A_10] : memref<4x128xi32, #tpu.memory_space<vmem>> -> memref<1x128xi32, #tpu.memory_space<vmem>>
    %dma_start3A_12 = tpu.memref_squeeze %dma_start3A_11 : memref<1x128xi32, #tpu.memory_space<vmem>> -> memref<128xi32, #tpu.memory_space<vmem>>
    %dma_start3A_13 = arith.constant 0 : i32
    %dma_start3A_14 = arith.constant 0 : i32
    %dma_start3A_15 = tpu.memref_slice %arg3[%dma_start3A_13, %dma_start3A_14] : memref<8192x256xf32, #tpu.memory_space<hbm>> -> memref<8192x256xf32, #tpu.memory_space<hbm>>
    tpu.enqueue_indirect_dma source(%dma_start3A_15 : memref<8192x256xf32, #tpu.memory_space<hbm>>) target(%arg7 : memref<128x256xf32, #tpu.memory_space<vmem>>) offsets(%dma_start3A_12 : memref<128xi32, #tpu.memory_space<vmem>>) semaphore(%arg9 : memref<!tpu.dma_semaphore, #tpu.memory_space<semaphore_mem>>)
    %dma_wait3A = arith.constant 0 : i32
    %dma_wait3A_16 = arith.constant 0 : i32
    %dma_wait3A_17 = tpu.memref_slice %arg5[%dma_wait3A, %dma_wait3A_16] : memref<4x128xi32, #tpu.memory_space<vmem>> -> memref<1x128xi32, #tpu.memory_space<vmem>>
    %dma_wait3A_18 = tpu.memref_squeeze %dma_wait3A_17 : memref<1x128xi32, #tpu.memory_space<vmem>> -> memref<128xi32, #tpu.memory_space<vmem>>
    %dma_wait3A_19 = arith.constant 0 : i32
    %dma_wait3A_20 = arith.constant 0 : i32
    %dma_wait3A_21 = tpu.memref_slice %arg3[%dma_wait3A_19, %dma_wait3A_20] : memref<8192x256xf32, #tpu.memory_space<hbm>> -> memref<8192x256xf32, #tpu.memory_space<hbm>>
    tpu.wait_indirect_dma semaphore(%arg8 : memref<!tpu.dma_semaphore, #tpu.memory_space<semaphore_mem>>) src(%dma_wait3A_21 : memref<8192x256xf32, #tpu.memory_space<hbm>>) dst(%arg6 : memref<128x256xf32, #tpu.memory_space<vmem>>)
    %add3A_22 = arith.constant 0 : i32
    %add3A_23 = arith.addi %mul3A_2, %add3A_22 : i32
    "tpu.region"() ({
      %run_scoped3A = tpu.sem_alloc : memref<!tpu.dma_semaphore, #tpu.memory_space<semaphore_mem>>
      %dma_start3A_65 = arith.constant 0 : i32
      %dma_start3A_66 = tpu.memref_slice %arg4[%add3A_23, %dma_start3A_65] : memref<16384x256xf32, #tpu.memory_space<hbm>> -> memref<128x256xf32, #tpu.memory_space<hbm>>
      %dma_start3A_67 = arith.constant 0 : i32
      %dma_start3A_68 = tpu.memref_slice %arg4[%add3A_23, %dma_start3A_67] : memref<16384x256xf32, #tpu.memory_space<hbm>> -> memref<128x256xf32, #tpu.memory_space<hbm>>
      tpu.enqueue_dma source(%arg6 : memref<128x256xf32, #tpu.memory_space<vmem>>) target(%dma_start3A_68 : memref<128x256xf32, #tpu.memory_space<hbm>>) target_semaphore(%run_scoped3A : memref<!tpu.dma_semaphore, #tpu.memory_space<semaphore_mem>>)
      %dma_wait3A_69 = arith.constant 0 : i32
      %dma_wait3A_70 = tpu.memref_slice %arg4[%add3A_23, %dma_wait3A_69] : memref<16384x256xf32, #tpu.memory_space<hbm>> -> memref<128x256xf32, #tpu.memory_space<hbm>>
      %dma_wait3A_71 = arith.constant 0 : i32
      %dma_wait3A_72 = tpu.memref_slice %arg4[%add3A_23, %dma_wait3A_71] : memref<16384x256xf32, #tpu.memory_space<hbm>> -> memref<128x256xf32, #tpu.memory_space<hbm>>
      tpu.wait_dma2 semaphore(%run_scoped3A : memref<!tpu.dma_semaphore, #tpu.memory_space<semaphore_mem>>) src(%arg6 : memref<128x256xf32, #tpu.memory_space<vmem>>) dst(%dma_wait3A_72 : memref<128x256xf32, #tpu.memory_space<hbm>>)
      tpu.yield
    }) : () -> ()
    %dma_start3A_24 = arith.constant 2 : i32
    %dma_start3A_25 = arith.constant 0 : i32
    %dma_start3A_26 = tpu.memref_slice %arg5[%dma_start3A_24, %dma_start3A_25] : memref<4x128xi32, #tpu.memory_space<vmem>> -> memref<1x128xi32, #tpu.memory_space<vmem>>
    %dma_start3A_27 = tpu.memref_squeeze %dma_start3A_26 : memref<1x128xi32, #tpu.memory_space<vmem>> -> memref<128xi32, #tpu.memory_space<vmem>>
    %dma_start3A_28 = arith.constant 0 : i32
    %dma_start3A_29 = arith.constant 0 : i32
    %dma_start3A_30 = tpu.memref_slice %arg3[%dma_start3A_28, %dma_start3A_29] : memref<8192x256xf32, #tpu.memory_space<hbm>> -> memref<8192x256xf32, #tpu.memory_space<hbm>>
    tpu.enqueue_indirect_dma source(%dma_start3A_30 : memref<8192x256xf32, #tpu.memory_space<hbm>>) target(%arg6 : memref<128x256xf32, #tpu.memory_space<vmem>>) offsets(%dma_start3A_27 : memref<128xi32, #tpu.memory_space<vmem>>) semaphore(%arg8 : memref<!tpu.dma_semaphore, #tpu.memory_space<semaphore_mem>>)
    %dma_wait3A_31 = arith.constant 1 : i32
    %dma_wait3A_32 = arith.constant 0 : i32
    %dma_wait3A_33 = tpu.memref_slice %arg5[%dma_wait3A_31, %dma_wait3A_32] : memref<4x128xi32, #tpu.memory_space<vmem>> -> memref<1x128xi32, #tpu.memory_space<vmem>>
    %dma_wait3A_34 = tpu.memref_squeeze %dma_wait3A_33 : memref<1x128xi32, #tpu.memory_space<vmem>> -> memref<128xi32, #tpu.memory_space<vmem>>
    %dma_wait3A_35 = arith.constant 0 : i32
    %dma_wait3A_36 = arith.constant 0 : i32
    %dma_wait3A_37 = tpu.memref_slice %arg3[%dma_wait3A_35, %dma_wait3A_36] : memref<8192x256xf32, #tpu.memory_space<hbm>> -> memref<8192x256xf32, #tpu.memory_space<hbm>>
    tpu.wait_indirect_dma semaphore(%arg9 : memref<!tpu.dma_semaphore, #tpu.memory_space<semaphore_mem>>) src(%dma_wait3A_37 : memref<8192x256xf32, #tpu.memory_space<hbm>>) dst(%arg7 : memref<128x256xf32, #tpu.memory_space<vmem>>)
    %add3A_38 = arith.constant 128 : i32
    %add3A_39 = arith.addi %mul3A_2, %add3A_38 : i32
    "tpu.region"() ({
      %run_scoped3A = tpu.sem_alloc : memref<!tpu.dma_semaphore, #tpu.memory_space<semaphore_mem>>
      %dma_start3A_65 = arith.constant 0 : i32
      %dma_start3A_66 = tpu.memref_slice %arg4[%add3A_39, %dma_start3A_65] : memref<16384x256xf32, #tpu.memory_space<hbm>> -> memref<128x256xf32, #tpu.memory_space<hbm>>
      %dma_start3A_67 = arith.constant 0 : i32
      %dma_start3A_68 = tpu.memref_slice %arg4[%add3A_39, %dma_start3A_67] : memref<16384x256xf32, #tpu.memory_space<hbm>> -> memref<128x256xf32, #tpu.memory_space<hbm>>
      tpu.enqueue_dma source(%arg7 : memref<128x256xf32, #tpu.memory_space<vmem>>) target(%dma_start3A_68 : memref<128x256xf32, #tpu.memory_space<hbm>>) target_semaphore(%run_scoped3A : memref<!tpu.dma_semaphore, #tpu.memory_space<semaphore_mem>>)
      %dma_wait3A_69 = arith.constant 0 : i32
      %dma_wait3A_70 = tpu.memref_slice %arg4[%add3A_39, %dma_wait3A_69] : memref<16384x256xf32, #tpu.memory_space<hbm>> -> memref<128x256xf32, #tpu.memory_space<hbm>>
      %dma_wait3A_71 = arith.constant 0 : i32
      %dma_wait3A_72 = tpu.memref_slice %arg4[%add3A_39, %dma_wait3A_71] : memref<16384x256xf32, #tpu.memory_space<hbm>> -> memref<128x256xf32, #tpu.memory_space<hbm>>
      tpu.wait_dma2 semaphore(%run_scoped3A : memref<!tpu.dma_semaphore, #tpu.memory_space<semaphore_mem>>) src(%arg7 : memref<128x256xf32, #tpu.memory_space<vmem>>) dst(%dma_wait3A_72 : memref<128x256xf32, #tpu.memory_space<hbm>>)
      tpu.yield
    }) : () -> ()
    %dma_start3A_40 = arith.constant 3 : i32
    %dma_start3A_41 = arith.constant 0 : i32
    %dma_start3A_42 = tpu.memref_slice %arg5[%dma_start3A_40, %dma_start3A_41] : memref<4x128xi32, #tpu.memory_space<vmem>> -> memref<1x128xi32, #tpu.memory_space<vmem>>
    %dma_start3A_43 = tpu.memref_squeeze %dma_start3A_42 : memref<1x128xi32, #tpu.memory_space<vmem>> -> memref<128xi32, #tpu.memory_space<vmem>>
    %dma_start3A_44 = arith.constant 0 : i32
    %dma_start3A_45 = arith.constant 0 : i32
    %dma_start3A_46 = tpu.memref_slice %arg3[%dma_start3A_44, %dma_start3A_45] : memref<8192x256xf32, #tpu.memory_space<hbm>> -> memref<8192x256xf32, #tpu.memory_space<hbm>>
    tpu.enqueue_indirect_dma source(%dma_start3A_46 : memref<8192x256xf32, #tpu.memory_space<hbm>>) target(%arg7 : memref<128x256xf32, #tpu.memory_space<vmem>>) offsets(%dma_start3A_43 : memref<128xi32, #tpu.memory_space<vmem>>) semaphore(%arg9 : memref<!tpu.dma_semaphore, #tpu.memory_space<semaphore_mem>>)
    %dma_wait3A_47 = arith.constant 2 : i32
    %dma_wait3A_48 = arith.constant 0 : i32
    %dma_wait3A_49 = tpu.memref_slice %arg5[%dma_wait3A_47, %dma_wait3A_48] : memref<4x128xi32, #tpu.memory_space<vmem>> -> memref<1x128xi32, #tpu.memory_space<vmem>>
    %dma_wait3A_50 = tpu.memref_squeeze %dma_wait3A_49 : memref<1x128xi32, #tpu.memory_space<vmem>> -> memref<128xi32, #tpu.memory_space<vmem>>
    %dma_wait3A_51 = arith.constant 0 : i32
    %dma_wait3A_52 = arith.constant 0 : i32
    %dma_wait3A_53 = tpu.memref_slice %arg3[%dma_wait3A_51, %dma_wait3A_52] : memref<8192x256xf32, #tpu.memory_space<hbm>> -> memref<8192x256xf32, #tpu.memory_space<hbm>>
    tpu.wait_indirect_dma semaphore(%arg8 : memref<!tpu.dma_semaphore, #tpu.memory_space<semaphore_mem>>) src(%dma_wait3A_53 : memref<8192x256xf32, #tpu.memory_space<hbm>>) dst(%arg6 : memref<128x256xf32, #tpu.memory_space<vmem>>)
    %add3A_54 = arith.constant 256 : i32
    %add3A_55 = arith.addi %mul3A_2, %add3A_54 : i32
    "tpu.region"() ({
      %run_scoped3A = tpu.sem_alloc : memref<!tpu.dma_semaphore, #tpu.memory_space<semaphore_mem>>
      %dma_start3A_65 = arith.constant 0 : i32
      %dma_start3A_66 = tpu.memref_slice %arg4[%add3A_55, %dma_start3A_65] : memref<16384x256xf32, #tpu.memory_space<hbm>> -> memref<128x256xf32, #tpu.memory_space<hbm>>
      %dma_start3A_67 = arith.constant 0 : i32
      %dma_start3A_68 = tpu.memref_slice %arg4[%add3A_55, %dma_start3A_67] : memref<16384x256xf32, #tpu.memory_space<hbm>> -> memref<128x256xf32, #tpu.memory_space<hbm>>
      tpu.enqueue_dma source(%arg6 : memref<128x256xf32, #tpu.memory_space<vmem>>) target(%dma_start3A_68 : memref<128x256xf32, #tpu.memory_space<hbm>>) target_semaphore(%run_scoped3A : memref<!tpu.dma_semaphore, #tpu.memory_space<semaphore_mem>>)
      %dma_wait3A_69 = arith.constant 0 : i32
      %dma_wait3A_70 = tpu.memref_slice %arg4[%add3A_55, %dma_wait3A_69] : memref<16384x256xf32, #tpu.memory_space<hbm>> -> memref<128x256xf32, #tpu.memory_space<hbm>>
      %dma_wait3A_71 = arith.constant 0 : i32
      %dma_wait3A_72 = tpu.memref_slice %arg4[%add3A_55, %dma_wait3A_71] : memref<16384x256xf32, #tpu.memory_space<hbm>> -> memref<128x256xf32, #tpu.memory_space<hbm>>
      tpu.wait_dma2 semaphore(%run_scoped3A : memref<!tpu.dma_semaphore, #tpu.memory_space<semaphore_mem>>) src(%arg6 : memref<128x256xf32, #tpu.memory_space<vmem>>) dst(%dma_wait3A_72 : memref<128x256xf32, #tpu.memory_space<hbm>>)
      tpu.yield
    }) : () -> ()
    %dma_wait3A_56 = arith.constant 3 : i32
    %dma_wait3A_57 = arith.constant 0 : i32
    %dma_wait3A_58 = tpu.memref_slice %arg5[%dma_wait3A_56, %dma_wait3A_57] : memref<4x128xi32, #tpu.memory_space<vmem>> -> memref<1x128xi32, #tpu.memory_space<vmem>>
    %dma_wait3A_59 = tpu.memref_squeeze %dma_wait3A_58 : memref<1x128xi32, #tpu.memory_space<vmem>> -> memref<128xi32, #tpu.memory_space<vmem>>
    %dma_wait3A_60 = arith.constant 0 : i32
    %dma_wait3A_61 = arith.constant 0 : i32
    %dma_wait3A_62 = tpu.memref_slice %arg3[%dma_wait3A_60, %dma_wait3A_61] : memref<8192x256xf32, #tpu.memory_space<hbm>> -> memref<8192x256xf32, #tpu.memory_space<hbm>>
    tpu.wait_indirect_dma semaphore(%arg9 : memref<!tpu.dma_semaphore, #tpu.memory_space<semaphore_mem>>) src(%dma_wait3A_62 : memref<8192x256xf32, #tpu.memory_space<hbm>>) dst(%arg7 : memref<128x256xf32, #tpu.memory_space<vmem>>)
    %add3A_63 = arith.constant 384 : i32
    %add3A_64 = arith.addi %mul3A_2, %add3A_63 : i32
    "tpu.region"() ({
      %run_scoped3A = tpu.sem_alloc : memref<!tpu.dma_semaphore, #tpu.memory_space<semaphore_mem>>
      %dma_start3A_65 = arith.constant 0 : i32
      %dma_start3A_66 = tpu.memref_slice %arg4[%add3A_64, %dma_start3A_65] : memref<16384x256xf32, #tpu.memory_space<hbm>> -> memref<128x256xf32, #tpu.memory_space<hbm>>
      %dma_start3A_67 = arith.constant 0 : i32
      %dma_start3A_68 = tpu.memref_slice %arg4[%add3A_64, %dma_start3A_67] : memref<16384x256xf32, #tpu.memory_space<hbm>> -> memref<128x256xf32, #tpu.memory_space<hbm>>
      tpu.enqueue_dma source(%arg7 : memref<128x256xf32, #tpu.memory_space<vmem>>) target(%dma_start3A_68 : memref<128x256xf32, #tpu.memory_space<hbm>>) target_semaphore(%run_scoped3A : memref<!tpu.dma_semaphore, #tpu.memory_space<semaphore_mem>>)
      %dma_wait3A_69 = arith.constant 0 : i32
      %dma_wait3A_70 = tpu.memref_slice %arg4[%add3A_64, %dma_wait3A_69] : memref<16384x256xf32, #tpu.memory_space<hbm>> -> memref<128x256xf32, #tpu.memory_space<hbm>>
      %dma_wait3A_71 = arith.constant 0 : i32
      %dma_wait3A_72 = tpu.memref_slice %arg4[%add3A_64, %dma_wait3A_71] : memref<16384x256xf32, #tpu.memory_space<hbm>> -> memref<128x256xf32, #tpu.memory_space<hbm>>
      tpu.wait_dma2 semaphore(%run_scoped3A : memref<!tpu.dma_semaphore, #tpu.memory_space<semaphore_mem>>) src(%arg7 : memref<128x256xf32, #tpu.memory_space<vmem>>) dst(%dma_wait3A_72 : memref<128x256xf32, #tpu.memory_space<hbm>>)
      tpu.yield
    }) : () -> ()
    return
  }
}

module attributes {stable_mosaic.version = 14 : i64} {
  func.func @_dist_argmin_body(%arg0: i32, %arg1: memref<8192xf32, #tpu.memory_space<vmem>>, %arg2: memref<2048x256xf32, #tpu.memory_space<vmem>>, %arg3: memref<8192x256xf32, #tpu.memory_space<vmem>>, %arg4: memref<2048xi32, #tpu.memory_space<vmem>>) attributes {dimension_semantics = [#tpu.dimension_semantics<arbitrary>], iteration_bounds = array<i64: 8>, scalar_prefetch = 0 : i64, scratch_operands = 0 : i64, tpu.core_type = #tpu.core_type<tc>, window_params = [{pipeline_mode = #tpu.pipeline_mode<synchronous>, transform_indices = @transform_0, window_bounds = array<i64: 8192>}, {transform_indices = @transform_1, window_bounds = array<i64: 2048, 256>}, {pipeline_mode = #tpu.pipeline_mode<synchronous>, transform_indices = @transform_2, window_bounds = array<i64: 8192, 256>}, {transform_indices = @transform_3, window_bounds = array<i64: 2048>}]} {
    %get3A = arith.constant 0 : index
    %get3A_0 = arith.constant 0 : index
    %get3A_1 = vector.load %arg2[%get3A, %get3A_0] : memref<2048x256xf32, #tpu.memory_space<vmem>>, vector<2048x256xf32>
    %mul3A = arith.mulf %get3A_1, %get3A_1 : vector<2048x256xf32>
    %reduce_sum3A = arith.constant dense<0.000000e+00> : vector<2048xf32>
    %reduce_sum3A_2 = vector.multi_reduction <add>, %mul3A, %reduce_sum3A [1] : vector<2048x256xf32> to vector<2048xf32>
    %iota3A = tpu.iota {dimensions = array<i32: 1>} : vector<2048x512xi32>
    %convert_element_type3A = arith.sitofp %iota3A : vector<2048x512xi32> to vector<2048x512xf32>
    %get3A_3 = arith.constant 0 : index
    %get3A_4 = arith.constant 0 : index
    %get3A_5 = vector.load %arg3[%get3A_3, %get3A_4] : memref<8192x256xf32, #tpu.memory_space<vmem>>, vector<512x256xf32>
    %mul3A_6 = arith.constant -2.000000e+00 : f32
    %mul3A_7 = vector.broadcast %mul3A_6 : f32 to vector<512x256xf32>
    %mul3A_8 = arith.mulf %get3A_5, %mul3A_7 : vector<512x256xf32>
    %get3A_9 = arith.constant 0 : index
    %get3A_10 = vector.load %arg1[%get3A_9] : memref<8192xf32, #tpu.memory_space<vmem>>, vector<512xf32>
    %dot_general3A = arith.constant dense<0.000000e+00> : vector<2048x512xf32>
    %dot_general3A_11 = tpu.matmul %get3A_1, %mul3A_8, %dot_general3A {dimension_numbers = #tpu.dot_dimension_numbers<[1], [1], [0], [0], [0, 0, 1, 0], [], []>, transpose_lhs_hint = false} : vector<2048x256xf32>, vector<512x256xf32>, vector<2048x512xf32> -> vector<2048x512xf32>
    %broadcast_in_dim3A = vector.shape_cast %reduce_sum3A_2 : vector<2048xf32> to vector<2048x1xf32>
    %add3A = vector.broadcast %broadcast_in_dim3A : vector<2048x1xf32> to vector<2048x512xf32>
    %add3A_12 = arith.addf %add3A, %dot_general3A_11 : vector<2048x512xf32>
    %broadcast_in_dim3A_13 = vector.shape_cast %get3A_10 : vector<512xf32> to vector<1x512xf32>
    %add3A_14 = vector.broadcast %broadcast_in_dim3A_13 : vector<1x512xf32> to vector<2048x512xf32>
    %add3A_15 = arith.addf %add3A_12, %add3A_14 : vector<2048x512xf32>
    %reduce_min3A = arith.constant dense<0x7F800000> : vector<2048xf32>
    %reduce_min3A_16 = vector.multi_reduction <minimumf>, %add3A_15, %reduce_min3A [1] : vector<2048x512xf32> to vector<2048xf32>
    %broadcast_in_dim3A_17 = vector.shape_cast %reduce_min3A_16 : vector<2048xf32> to vector<2048x1xf32>
    %eq3A = vector.broadcast %broadcast_in_dim3A_17 : vector<2048x1xf32> to vector<2048x512xf32>
    %eq3A_18 = arith.cmpf oeq, %add3A_15, %eq3A : vector<2048x512xf32>
    %jit3A = arith.constant 1.638400e+04 : f32
    %broadcast_in_dim3A_19 = vector.broadcast %jit3A : f32 to vector<2048x512xf32>
    %select_n3A = arith.select %eq3A_18, %convert_element_type3A, %broadcast_in_dim3A_19 : vector<2048x512xi1>, vector<2048x512xf32>
    %reduce_min3A_20 = arith.constant dense<0x7F800000> : vector<2048xf32>
    %reduce_min3A_21 = vector.multi_reduction <minimumf>, %select_n3A, %reduce_min3A_20 [1] : vector<2048x512xf32> to vector<2048xf32>
    %add3A_22 = arith.constant 0.000000e+00 : f32
    %add3A_23 = vector.broadcast %add3A_22 : f32 to vector<2048xf32>
    %add3A_24 = arith.addf %reduce_min3A_21, %add3A_23 : vector<2048xf32>
    %get3A_25 = arith.constant 512 : index
    %get3A_26 = arith.constant 0 : index
    %get3A_27 = vector.load %arg3[%get3A_25, %get3A_26] : memref<8192x256xf32, #tpu.memory_space<vmem>>, vector<512x256xf32>
    %mul3A_28 = arith.constant -2.000000e+00 : f32
    %mul3A_29 = vector.broadcast %mul3A_28 : f32 to vector<512x256xf32>
    %mul3A_30 = arith.mulf %get3A_27, %mul3A_29 : vector<512x256xf32>
    %get3A_31 = arith.constant 512 : index
    %get3A_32 = vector.load %arg1[%get3A_31] : memref<8192xf32, #tpu.memory_space<vmem>>, vector<512xf32>
    %dot_general3A_33 = arith.constant dense<0.000000e+00> : vector<2048x512xf32>
    %dot_general3A_34 = tpu.matmul %get3A_1, %mul3A_30, %dot_general3A_33 {dimension_numbers = #tpu.dot_dimension_numbers<[1], [1], [0], [0], [0, 0, 1, 0], [], []>, transpose_lhs_hint = false} : vector<2048x256xf32>, vector<512x256xf32>, vector<2048x512xf32> -> vector<2048x512xf32>
    %broadcast_in_dim3A_35 = vector.shape_cast %reduce_sum3A_2 : vector<2048xf32> to vector<2048x1xf32>
    %add3A_36 = vector.broadcast %broadcast_in_dim3A_35 : vector<2048x1xf32> to vector<2048x512xf32>
    %add3A_37 = arith.addf %add3A_36, %dot_general3A_34 : vector<2048x512xf32>
    %broadcast_in_dim3A_38 = vector.shape_cast %get3A_32 : vector<512xf32> to vector<1x512xf32>
    %add3A_39 = vector.broadcast %broadcast_in_dim3A_38 : vector<1x512xf32> to vector<2048x512xf32>
    %add3A_40 = arith.addf %add3A_37, %add3A_39 : vector<2048x512xf32>
    %reduce_min3A_41 = arith.constant dense<0x7F800000> : vector<2048xf32>
    %reduce_min3A_42 = vector.multi_reduction <minimumf>, %add3A_40, %reduce_min3A_41 [1] : vector<2048x512xf32> to vector<2048xf32>
    %broadcast_in_dim3A_43 = vector.shape_cast %reduce_min3A_42 : vector<2048xf32> to vector<2048x1xf32>
    %eq3A_44 = vector.broadcast %broadcast_in_dim3A_43 : vector<2048x1xf32> to vector<2048x512xf32>
    %eq3A_45 = arith.cmpf oeq, %add3A_40, %eq3A_44 : vector<2048x512xf32>
    %jit3A_46 = arith.constant 1.638400e+04 : f32
    %broadcast_in_dim3A_47 = vector.broadcast %jit3A_46 : f32 to vector<2048x512xf32>
    %select_n3A_48 = arith.select %eq3A_45, %convert_element_type3A, %broadcast_in_dim3A_47 : vector<2048x512xi1>, vector<2048x512xf32>
    %reduce_min3A_49 = arith.constant dense<0x7F800000> : vector<2048xf32>
    %reduce_min3A_50 = vector.multi_reduction <minimumf>, %select_n3A_48, %reduce_min3A_49 [1] : vector<2048x512xf32> to vector<2048xf32>
    %add3A_51 = arith.constant 5.120000e+02 : f32
    %add3A_52 = vector.broadcast %add3A_51 : f32 to vector<2048xf32>
    %add3A_53 = arith.addf %reduce_min3A_50, %add3A_52 : vector<2048xf32>
    %lt3A = arith.cmpf olt, %reduce_min3A_42, %reduce_min3A_16 : vector<2048xf32>
    %select_n3A_54 = arith.select %lt3A, %reduce_min3A_42, %reduce_min3A_16 : vector<2048xi1>, vector<2048xf32>
    %select_n3A_55 = arith.select %lt3A, %add3A_53, %add3A_24 : vector<2048xi1>, vector<2048xf32>
    %get3A_56 = arith.constant 1024 : index
    %get3A_57 = arith.constant 0 : index
    %get3A_58 = vector.load %arg3[%get3A_56, %get3A_57] : memref<8192x256xf32, #tpu.memory_space<vmem>>, vector<512x256xf32>
    %mul3A_59 = arith.constant -2.000000e+00 : f32
    %mul3A_60 = vector.broadcast %mul3A_59 : f32 to vector<512x256xf32>
    %mul3A_61 = arith.mulf %get3A_58, %mul3A_60 : vector<512x256xf32>
    %get3A_62 = arith.constant 1024 : index
    %get3A_63 = vector.load %arg1[%get3A_62] : memref<8192xf32, #tpu.memory_space<vmem>>, vector<512xf32>
    %dot_general3A_64 = arith.constant dense<0.000000e+00> : vector<2048x512xf32>
    %dot_general3A_65 = tpu.matmul %get3A_1, %mul3A_61, %dot_general3A_64 {dimension_numbers = #tpu.dot_dimension_numbers<[1], [1], [0], [0], [0, 0, 1, 0], [], []>, transpose_lhs_hint = false} : vector<2048x256xf32>, vector<512x256xf32>, vector<2048x512xf32> -> vector<2048x512xf32>
    %broadcast_in_dim3A_66 = vector.shape_cast %reduce_sum3A_2 : vector<2048xf32> to vector<2048x1xf32>
    %add3A_67 = vector.broadcast %broadcast_in_dim3A_66 : vector<2048x1xf32> to vector<2048x512xf32>
    %add3A_68 = arith.addf %add3A_67, %dot_general3A_65 : vector<2048x512xf32>
    %broadcast_in_dim3A_69 = vector.shape_cast %get3A_63 : vector<512xf32> to vector<1x512xf32>
    %add3A_70 = vector.broadcast %broadcast_in_dim3A_69 : vector<1x512xf32> to vector<2048x512xf32>
    %add3A_71 = arith.addf %add3A_68, %add3A_70 : vector<2048x512xf32>
    %reduce_min3A_72 = arith.constant dense<0x7F800000> : vector<2048xf32>
    %reduce_min3A_73 = vector.multi_reduction <minimumf>, %add3A_71, %reduce_min3A_72 [1] : vector<2048x512xf32> to vector<2048xf32>
    %broadcast_in_dim3A_74 = vector.shape_cast %reduce_min3A_73 : vector<2048xf32> to vector<2048x1xf32>
    %eq3A_75 = vector.broadcast %broadcast_in_dim3A_74 : vector<2048x1xf32> to vector<2048x512xf32>
    %eq3A_76 = arith.cmpf oeq, %add3A_71, %eq3A_75 : vector<2048x512xf32>
    %jit3A_77 = arith.constant 1.638400e+04 : f32
    %broadcast_in_dim3A_78 = vector.broadcast %jit3A_77 : f32 to vector<2048x512xf32>
    %select_n3A_79 = arith.select %eq3A_76, %convert_element_type3A, %broadcast_in_dim3A_78 : vector<2048x512xi1>, vector<2048x512xf32>
    %reduce_min3A_80 = arith.constant dense<0x7F800000> : vector<2048xf32>
    %reduce_min3A_81 = vector.multi_reduction <minimumf>, %select_n3A_79, %reduce_min3A_80 [1] : vector<2048x512xf32> to vector<2048xf32>
    %add3A_82 = arith.constant 1.024000e+03 : f32
    %add3A_83 = vector.broadcast %add3A_82 : f32 to vector<2048xf32>
    %add3A_84 = arith.addf %reduce_min3A_81, %add3A_83 : vector<2048xf32>
    %lt3A_85 = arith.cmpf olt, %reduce_min3A_73, %select_n3A_54 : vector<2048xf32>
    %select_n3A_86 = arith.select %lt3A_85, %reduce_min3A_73, %select_n3A_54 : vector<2048xi1>, vector<2048xf32>
    %select_n3A_87 = arith.select %lt3A_85, %add3A_84, %select_n3A_55 : vector<2048xi1>, vector<2048xf32>
    %get3A_88 = arith.constant 1536 : index
    %get3A_89 = arith.constant 0 : index
    %get3A_90 = vector.load %arg3[%get3A_88, %get3A_89] : memref<8192x256xf32, #tpu.memory_space<vmem>>, vector<512x256xf32>
    %mul3A_91 = arith.constant -2.000000e+00 : f32
    %mul3A_92 = vector.broadcast %mul3A_91 : f32 to vector<512x256xf32>
    %mul3A_93 = arith.mulf %get3A_90, %mul3A_92 : vector<512x256xf32>
    %get3A_94 = arith.constant 1536 : index
    %get3A_95 = vector.load %arg1[%get3A_94] : memref<8192xf32, #tpu.memory_space<vmem>>, vector<512xf32>
    %dot_general3A_96 = arith.constant dense<0.000000e+00> : vector<2048x512xf32>
    %dot_general3A_97 = tpu.matmul %get3A_1, %mul3A_93, %dot_general3A_96 {dimension_numbers = #tpu.dot_dimension_numbers<[1], [1], [0], [0], [0, 0, 1, 0], [], []>, transpose_lhs_hint = false} : vector<2048x256xf32>, vector<512x256xf32>, vector<2048x512xf32> -> vector<2048x512xf32>
    %broadcast_in_dim3A_98 = vector.shape_cast %reduce_sum3A_2 : vector<2048xf32> to vector<2048x1xf32>
    %add3A_99 = vector.broadcast %broadcast_in_dim3A_98 : vector<2048x1xf32> to vector<2048x512xf32>
    %add3A_100 = arith.addf %add3A_99, %dot_general3A_97 : vector<2048x512xf32>
    %broadcast_in_dim3A_101 = vector.shape_cast %get3A_95 : vector<512xf32> to vector<1x512xf32>
    %add3A_102 = vector.broadcast %broadcast_in_dim3A_101 : vector<1x512xf32> to vector<2048x512xf32>
    %add3A_103 = arith.addf %add3A_100, %add3A_102 : vector<2048x512xf32>
    %reduce_min3A_104 = arith.constant dense<0x7F800000> : vector<2048xf32>
    %reduce_min3A_105 = vector.multi_reduction <minimumf>, %add3A_103, %reduce_min3A_104 [1] : vector<2048x512xf32> to vector<2048xf32>
    %broadcast_in_dim3A_106 = vector.shape_cast %reduce_min3A_105 : vector<2048xf32> to vector<2048x1xf32>
    %eq3A_107 = vector.broadcast %broadcast_in_dim3A_106 : vector<2048x1xf32> to vector<2048x512xf32>
    %eq3A_108 = arith.cmpf oeq, %add3A_103, %eq3A_107 : vector<2048x512xf32>
    %jit3A_109 = arith.constant 1.638400e+04 : f32
    %broadcast_in_dim3A_110 = vector.broadcast %jit3A_109 : f32 to vector<2048x512xf32>
    %select_n3A_111 = arith.select %eq3A_108, %convert_element_type3A, %broadcast_in_dim3A_110 : vector<2048x512xi1>, vector<2048x512xf32>
    %reduce_min3A_112 = arith.constant dense<0x7F800000> : vector<2048xf32>
    %reduce_min3A_113 = vector.multi_reduction <minimumf>, %select_n3A_111, %reduce_min3A_112 [1] : vector<2048x512xf32> to vector<2048xf32>
    %add3A_114 = arith.constant 1.536000e+03 : f32
    %add3A_115 = vector.broadcast %add3A_114 : f32 to vector<2048xf32>
    %add3A_116 = arith.addf %reduce_min3A_113, %add3A_115 : vector<2048xf32>
    %lt3A_117 = arith.cmpf olt, %reduce_min3A_105, %select_n3A_86 : vector<2048xf32>
    %select_n3A_118 = arith.select %lt3A_117, %reduce_min3A_105, %select_n3A_86 : vector<2048xi1>, vector<2048xf32>
    %select_n3A_119 = arith.select %lt3A_117, %add3A_116, %select_n3A_87 : vector<2048xi1>, vector<2048xf32>
    %get3A_120 = arith.constant 2048 : index
    %get3A_121 = arith.constant 0 : index
    %get3A_122 = vector.load %arg3[%get3A_120, %get3A_121] : memref<8192x256xf32, #tpu.memory_space<vmem>>, vector<512x256xf32>
    %mul3A_123 = arith.constant -2.000000e+00 : f32
    %mul3A_124 = vector.broadcast %mul3A_123 : f32 to vector<512x256xf32>
    %mul3A_125 = arith.mulf %get3A_122, %mul3A_124 : vector<512x256xf32>
    %get3A_126 = arith.constant 2048 : index
    %get3A_127 = vector.load %arg1[%get3A_126] : memref<8192xf32, #tpu.memory_space<vmem>>, vector<512xf32>
    %dot_general3A_128 = arith.constant dense<0.000000e+00> : vector<2048x512xf32>
    %dot_general3A_129 = tpu.matmul %get3A_1, %mul3A_125, %dot_general3A_128 {dimension_numbers = #tpu.dot_dimension_numbers<[1], [1], [0], [0], [0, 0, 1, 0], [], []>, transpose_lhs_hint = false} : vector<2048x256xf32>, vector<512x256xf32>, vector<2048x512xf32> -> vector<2048x512xf32>
    %broadcast_in_dim3A_130 = vector.shape_cast %reduce_sum3A_2 : vector<2048xf32> to vector<2048x1xf32>
    %add3A_131 = vector.broadcast %broadcast_in_dim3A_130 : vector<2048x1xf32> to vector<2048x512xf32>
    %add3A_132 = arith.addf %add3A_131, %dot_general3A_129 : vector<2048x512xf32>
    %broadcast_in_dim3A_133 = vector.shape_cast %get3A_127 : vector<512xf32> to vector<1x512xf32>
    %add3A_134 = vector.broadcast %broadcast_in_dim3A_133 : vector<1x512xf32> to vector<2048x512xf32>
    %add3A_135 = arith.addf %add3A_132, %add3A_134 : vector<2048x512xf32>
    %reduce_min3A_136 = arith.constant dense<0x7F800000> : vector<2048xf32>
    %reduce_min3A_137 = vector.multi_reduction <minimumf>, %add3A_135, %reduce_min3A_136 [1] : vector<2048x512xf32> to vector<2048xf32>
    %broadcast_in_dim3A_138 = vector.shape_cast %reduce_min3A_137 : vector<2048xf32> to vector<2048x1xf32>
    %eq3A_139 = vector.broadcast %broadcast_in_dim3A_138 : vector<2048x1xf32> to vector<2048x512xf32>
    %eq3A_140 = arith.cmpf oeq, %add3A_135, %eq3A_139 : vector<2048x512xf32>
    %jit3A_141 = arith.constant 1.638400e+04 : f32
    %broadcast_in_dim3A_142 = vector.broadcast %jit3A_141 : f32 to vector<2048x512xf32>
    %select_n3A_143 = arith.select %eq3A_140, %convert_element_type3A, %broadcast_in_dim3A_142 : vector<2048x512xi1>, vector<2048x512xf32>
    %reduce_min3A_144 = arith.constant dense<0x7F800000> : vector<2048xf32>
    %reduce_min3A_145 = vector.multi_reduction <minimumf>, %select_n3A_143, %reduce_min3A_144 [1] : vector<2048x512xf32> to vector<2048xf32>
    %add3A_146 = arith.constant 2.048000e+03 : f32
    %add3A_147 = vector.broadcast %add3A_146 : f32 to vector<2048xf32>
    %add3A_148 = arith.addf %reduce_min3A_145, %add3A_147 : vector<2048xf32>
    %lt3A_149 = arith.cmpf olt, %reduce_min3A_137, %select_n3A_118 : vector<2048xf32>
    %select_n3A_150 = arith.select %lt3A_149, %reduce_min3A_137, %select_n3A_118 : vector<2048xi1>, vector<2048xf32>
    %select_n3A_151 = arith.select %lt3A_149, %add3A_148, %select_n3A_119 : vector<2048xi1>, vector<2048xf32>
    %get3A_152 = arith.constant 2560 : index
    %get3A_153 = arith.constant 0 : index
    %get3A_154 = vector.load %arg3[%get3A_152, %get3A_153] : memref<8192x256xf32, #tpu.memory_space<vmem>>, vector<512x256xf32>
    %mul3A_155 = arith.constant -2.000000e+00 : f32
    %mul3A_156 = vector.broadcast %mul3A_155 : f32 to vector<512x256xf32>
    %mul3A_157 = arith.mulf %get3A_154, %mul3A_156 : vector<512x256xf32>
    %get3A_158 = arith.constant 2560 : index
    %get3A_159 = vector.load %arg1[%get3A_158] : memref<8192xf32, #tpu.memory_space<vmem>>, vector<512xf32>
    %dot_general3A_160 = arith.constant dense<0.000000e+00> : vector<2048x512xf32>
    %dot_general3A_161 = tpu.matmul %get3A_1, %mul3A_157, %dot_general3A_160 {dimension_numbers = #tpu.dot_dimension_numbers<[1], [1], [0], [0], [0, 0, 1, 0], [], []>, transpose_lhs_hint = false} : vector<2048x256xf32>, vector<512x256xf32>, vector<2048x512xf32> -> vector<2048x512xf32>
    %broadcast_in_dim3A_162 = vector.shape_cast %reduce_sum3A_2 : vector<2048xf32> to vector<2048x1xf32>
    %add3A_163 = vector.broadcast %broadcast_in_dim3A_162 : vector<2048x1xf32> to vector<2048x512xf32>
    %add3A_164 = arith.addf %add3A_163, %dot_general3A_161 : vector<2048x512xf32>
    %broadcast_in_dim3A_165 = vector.shape_cast %get3A_159 : vector<512xf32> to vector<1x512xf32>
    %add3A_166 = vector.broadcast %broadcast_in_dim3A_165 : vector<1x512xf32> to vector<2048x512xf32>
    %add3A_167 = arith.addf %add3A_164, %add3A_166 : vector<2048x512xf32>
    %ge3A = arith.constant -2.560000e+03 : f32
    %ge3A_168 = vector.broadcast %ge3A : f32 to vector<2048x512xf32>
    %ge3A_169 = arith.cmpf oge, %convert_element_type3A, %ge3A_168 : vector<2048x512xf32>
    %lt3A_170 = arith.constant 1.760000e+02 : f32
    %lt3A_171 = vector.broadcast %lt3A_170 : f32 to vector<2048x512xf32>
    %lt3A_172 = arith.cmpf olt, %convert_element_type3A, %lt3A_171 : vector<2048x512xf32>
    %and3A = arith.andi %ge3A_169, %lt3A_172 : vector<2048x512xi1>
    %jit3A_173 = arith.constant 0x7F800000 : f32
    %broadcast_in_dim3A_174 = vector.broadcast %jit3A_173 : f32 to vector<2048x512xf32>
    %select_n3A_175 = arith.select %and3A, %add3A_167, %broadcast_in_dim3A_174 : vector<2048x512xi1>, vector<2048x512xf32>
    %reduce_min3A_176 = arith.constant dense<0x7F800000> : vector<2048xf32>
    %reduce_min3A_177 = vector.multi_reduction <minimumf>, %select_n3A_175, %reduce_min3A_176 [1] : vector<2048x512xf32> to vector<2048xf32>
    %broadcast_in_dim3A_178 = vector.shape_cast %reduce_min3A_177 : vector<2048xf32> to vector<2048x1xf32>
    %eq3A_179 = vector.broadcast %broadcast_in_dim3A_178 : vector<2048x1xf32> to vector<2048x512xf32>
    %eq3A_180 = arith.cmpf oeq, %select_n3A_175, %eq3A_179 : vector<2048x512xf32>
    %jit3A_181 = arith.constant 1.638400e+04 : f32
    %broadcast_in_dim3A_182 = vector.broadcast %jit3A_181 : f32 to vector<2048x512xf32>
    %select_n3A_183 = arith.select %eq3A_180, %convert_element_type3A, %broadcast_in_dim3A_182 : vector<2048x512xi1>, vector<2048x512xf32>
    %reduce_min3A_184 = arith.constant dense<0x7F800000> : vector<2048xf32>
    %reduce_min3A_185 = vector.multi_reduction <minimumf>, %select_n3A_183, %reduce_min3A_184 [1] : vector<2048x512xf32> to vector<2048xf32>
    %add3A_186 = arith.constant 2.560000e+03 : f32
    %add3A_187 = vector.broadcast %add3A_186 : f32 to vector<2048xf32>
    %add3A_188 = arith.addf %reduce_min3A_185, %add3A_187 : vector<2048xf32>
    %lt3A_189 = arith.cmpf olt, %reduce_min3A_177, %select_n3A_150 : vector<2048xf32>
    %select_n3A_190 = arith.select %lt3A_189, %reduce_min3A_177, %select_n3A_150 : vector<2048xi1>, vector<2048xf32>
    %select_n3A_191 = arith.select %lt3A_189, %add3A_188, %select_n3A_151 : vector<2048xi1>, vector<2048xf32>
    %ge3A_192 = arith.constant 1.760000e+02 : f32
    %ge3A_193 = vector.broadcast %ge3A_192 : f32 to vector<2048x512xf32>
    %ge3A_194 = arith.cmpf oge, %convert_element_type3A, %ge3A_193 : vector<2048x512xf32>
    %lt3A_195 = arith.constant 2.912000e+03 : f32
    %lt3A_196 = vector.broadcast %lt3A_195 : f32 to vector<2048x512xf32>
    %lt3A_197 = arith.cmpf olt, %convert_element_type3A, %lt3A_196 : vector<2048x512xf32>
    %and3A_198 = arith.andi %ge3A_194, %lt3A_197 : vector<2048x512xi1>
    %jit3A_199 = arith.constant 0x7F800000 : f32
    %broadcast_in_dim3A_200 = vector.broadcast %jit3A_199 : f32 to vector<2048x512xf32>
    %select_n3A_201 = arith.select %and3A_198, %add3A_167, %broadcast_in_dim3A_200 : vector<2048x512xi1>, vector<2048x512xf32>
    %reduce_min3A_202 = arith.constant dense<0x7F800000> : vector<2048xf32>
    %reduce_min3A_203 = vector.multi_reduction <minimumf>, %select_n3A_201, %reduce_min3A_202 [1] : vector<2048x512xf32> to vector<2048xf32>
    %broadcast_in_dim3A_204 = vector.shape_cast %reduce_min3A_203 : vector<2048xf32> to vector<2048x1xf32>
    %eq3A_205 = vector.broadcast %broadcast_in_dim3A_204 : vector<2048x1xf32> to vector<2048x512xf32>
    %eq3A_206 = arith.cmpf oeq, %select_n3A_201, %eq3A_205 : vector<2048x512xf32>
    %jit3A_207 = arith.constant 1.638400e+04 : f32
    %broadcast_in_dim3A_208 = vector.broadcast %jit3A_207 : f32 to vector<2048x512xf32>
    %select_n3A_209 = arith.select %eq3A_206, %convert_element_type3A, %broadcast_in_dim3A_208 : vector<2048x512xi1>, vector<2048x512xf32>
    %reduce_min3A_210 = arith.constant dense<0x7F800000> : vector<2048xf32>
    %reduce_min3A_211 = vector.multi_reduction <minimumf>, %select_n3A_209, %reduce_min3A_210 [1] : vector<2048x512xf32> to vector<2048xf32>
    %add3A_212 = arith.constant 2.560000e+03 : f32
    %add3A_213 = vector.broadcast %add3A_212 : f32 to vector<2048xf32>
    %add3A_214 = arith.addf %reduce_min3A_211, %add3A_213 : vector<2048xf32>
    %get3A_215 = arith.constant 3072 : index
    %get3A_216 = arith.constant 0 : index
    %get3A_217 = vector.load %arg3[%get3A_215, %get3A_216] : memref<8192x256xf32, #tpu.memory_space<vmem>>, vector<512x256xf32>
    %mul3A_218 = arith.constant -2.000000e+00 : f32
    %mul3A_219 = vector.broadcast %mul3A_218 : f32 to vector<512x256xf32>
    %mul3A_220 = arith.mulf %get3A_217, %mul3A_219 : vector<512x256xf32>
    %get3A_221 = arith.constant 3072 : index
    %get3A_222 = vector.load %arg1[%get3A_221] : memref<8192xf32, #tpu.memory_space<vmem>>, vector<512xf32>
    %dot_general3A_223 = arith.constant dense<0.000000e+00> : vector<2048x512xf32>
    %dot_general3A_224 = tpu.matmul %get3A_1, %mul3A_220, %dot_general3A_223 {dimension_numbers = #tpu.dot_dimension_numbers<[1], [1], [0], [0], [0, 0, 1, 0], [], []>, transpose_lhs_hint = false} : vector<2048x256xf32>, vector<512x256xf32>, vector<2048x512xf32> -> vector<2048x512xf32>
    %broadcast_in_dim3A_225 = vector.shape_cast %reduce_sum3A_2 : vector<2048xf32> to vector<2048x1xf32>
    %add3A_226 = vector.broadcast %broadcast_in_dim3A_225 : vector<2048x1xf32> to vector<2048x512xf32>
    %add3A_227 = arith.addf %add3A_226, %dot_general3A_224 : vector<2048x512xf32>
    %broadcast_in_dim3A_228 = vector.shape_cast %get3A_222 : vector<512xf32> to vector<1x512xf32>
    %add3A_229 = vector.broadcast %broadcast_in_dim3A_228 : vector<1x512xf32> to vector<2048x512xf32>
    %add3A_230 = arith.addf %add3A_227, %add3A_229 : vector<2048x512xf32>
    %reduce_min3A_231 = arith.constant dense<0x7F800000> : vector<2048xf32>
    %reduce_min3A_232 = vector.multi_reduction <minimumf>, %add3A_230, %reduce_min3A_231 [1] : vector<2048x512xf32> to vector<2048xf32>
    %broadcast_in_dim3A_233 = vector.shape_cast %reduce_min3A_232 : vector<2048xf32> to vector<2048x1xf32>
    %eq3A_234 = vector.broadcast %broadcast_in_dim3A_233 : vector<2048x1xf32> to vector<2048x512xf32>
    %eq3A_235 = arith.cmpf oeq, %add3A_230, %eq3A_234 : vector<2048x512xf32>
    %jit3A_236 = arith.constant 1.638400e+04 : f32
    %broadcast_in_dim3A_237 = vector.broadcast %jit3A_236 : f32 to vector<2048x512xf32>
    %select_n3A_238 = arith.select %eq3A_235, %convert_element_type3A, %broadcast_in_dim3A_237 : vector<2048x512xi1>, vector<2048x512xf32>
    %reduce_min3A_239 = arith.constant dense<0x7F800000> : vector<2048xf32>
    %reduce_min3A_240 = vector.multi_reduction <minimumf>, %select_n3A_238, %reduce_min3A_239 [1] : vector<2048x512xf32> to vector<2048xf32>
    %add3A_241 = arith.constant 3.072000e+03 : f32
    %add3A_242 = vector.broadcast %add3A_241 : f32 to vector<2048xf32>
    %add3A_243 = arith.addf %reduce_min3A_240, %add3A_242 : vector<2048xf32>
    %lt3A_244 = arith.cmpf olt, %reduce_min3A_232, %reduce_min3A_203 : vector<2048xf32>
    %select_n3A_245 = arith.select %lt3A_244, %reduce_min3A_232, %reduce_min3A_203 : vector<2048xi1>, vector<2048xf32>
    %select_n3A_246 = arith.select %lt3A_244, %add3A_243, %add3A_214 : vector<2048xi1>, vector<2048xf32>
    %get3A_247 = arith.constant 3584 : index
    %get3A_248 = arith.constant 0 : index
    %get3A_249 = vector.load %arg3[%get3A_247, %get3A_248] : memref<8192x256xf32, #tpu.memory_space<vmem>>, vector<512x256xf32>
    %mul3A_250 = arith.constant -2.000000e+00 : f32
    %mul3A_251 = vector.broadcast %mul3A_250 : f32 to vector<512x256xf32>
    %mul3A_252 = arith.mulf %get3A_249, %mul3A_251 : vector<512x256xf32>
    %get3A_253 = arith.constant 3584 : index
    %get3A_254 = vector.load %arg1[%get3A_253] : memref<8192xf32, #tpu.memory_space<vmem>>, vector<512xf32>
    %dot_general3A_255 = arith.constant dense<0.000000e+00> : vector<2048x512xf32>
    %dot_general3A_256 = tpu.matmul %get3A_1, %mul3A_252, %dot_general3A_255 {dimension_numbers = #tpu.dot_dimension_numbers<[1], [1], [0], [0], [0, 0, 1, 0], [], []>, transpose_lhs_hint = false} : vector<2048x256xf32>, vector<512x256xf32>, vector<2048x512xf32> -> vector<2048x512xf32>
    %broadcast_in_dim3A_257 = vector.shape_cast %reduce_sum3A_2 : vector<2048xf32> to vector<2048x1xf32>
    %add3A_258 = vector.broadcast %broadcast_in_dim3A_257 : vector<2048x1xf32> to vector<2048x512xf32>
    %add3A_259 = arith.addf %add3A_258, %dot_general3A_256 : vector<2048x512xf32>
    %broadcast_in_dim3A_260 = vector.shape_cast %get3A_254 : vector<512xf32> to vector<1x512xf32>
    %add3A_261 = vector.broadcast %broadcast_in_dim3A_260 : vector<1x512xf32> to vector<2048x512xf32>
    %add3A_262 = arith.addf %add3A_259, %add3A_261 : vector<2048x512xf32>
    %reduce_min3A_263 = arith.constant dense<0x7F800000> : vector<2048xf32>
    %reduce_min3A_264 = vector.multi_reduction <minimumf>, %add3A_262, %reduce_min3A_263 [1] : vector<2048x512xf32> to vector<2048xf32>
    %broadcast_in_dim3A_265 = vector.shape_cast %reduce_min3A_264 : vector<2048xf32> to vector<2048x1xf32>
    %eq3A_266 = vector.broadcast %broadcast_in_dim3A_265 : vector<2048x1xf32> to vector<2048x512xf32>
    %eq3A_267 = arith.cmpf oeq, %add3A_262, %eq3A_266 : vector<2048x512xf32>
    %jit3A_268 = arith.constant 1.638400e+04 : f32
    %broadcast_in_dim3A_269 = vector.broadcast %jit3A_268 : f32 to vector<2048x512xf32>
    %select_n3A_270 = arith.select %eq3A_267, %convert_element_type3A, %broadcast_in_dim3A_269 : vector<2048x512xi1>, vector<2048x512xf32>
    %reduce_min3A_271 = arith.constant dense<0x7F800000> : vector<2048xf32>
    %reduce_min3A_272 = vector.multi_reduction <minimumf>, %select_n3A_270, %reduce_min3A_271 [1] : vector<2048x512xf32> to vector<2048xf32>
    %add3A_273 = arith.constant 3.584000e+03 : f32
    %add3A_274 = vector.broadcast %add3A_273 : f32 to vector<2048xf32>
    %add3A_275 = arith.addf %reduce_min3A_272, %add3A_274 : vector<2048xf32>
    %lt3A_276 = arith.cmpf olt, %reduce_min3A_264, %select_n3A_245 : vector<2048xf32>
    %select_n3A_277 = arith.select %lt3A_276, %reduce_min3A_264, %select_n3A_245 : vector<2048xi1>, vector<2048xf32>
    %select_n3A_278 = arith.select %lt3A_276, %add3A_275, %select_n3A_246 : vector<2048xi1>, vector<2048xf32>
    %get3A_279 = arith.constant 4096 : index
    %get3A_280 = arith.constant 0 : index
    %get3A_281 = vector.load %arg3[%get3A_279, %get3A_280] : memref<8192x256xf32, #tpu.memory_space<vmem>>, vector<512x256xf32>
    %mul3A_282 = arith.constant -2.000000e+00 : f32
    %mul3A_283 = vector.broadcast %mul3A_282 : f32 to vector<512x256xf32>
    %mul3A_284 = arith.mulf %get3A_281, %mul3A_283 : vector<512x256xf32>
    %get3A_285 = arith.constant 4096 : index
    %get3A_286 = vector.load %arg1[%get3A_285] : memref<8192xf32, #tpu.memory_space<vmem>>, vector<512xf32>
    %dot_general3A_287 = arith.constant dense<0.000000e+00> : vector<2048x512xf32>
    %dot_general3A_288 = tpu.matmul %get3A_1, %mul3A_284, %dot_general3A_287 {dimension_numbers = #tpu.dot_dimension_numbers<[1], [1], [0], [0], [0, 0, 1, 0], [], []>, transpose_lhs_hint = false} : vector<2048x256xf32>, vector<512x256xf32>, vector<2048x512xf32> -> vector<2048x512xf32>
    %broadcast_in_dim3A_289 = vector.shape_cast %reduce_sum3A_2 : vector<2048xf32> to vector<2048x1xf32>
    %add3A_290 = vector.broadcast %broadcast_in_dim3A_289 : vector<2048x1xf32> to vector<2048x512xf32>
    %add3A_291 = arith.addf %add3A_290, %dot_general3A_288 : vector<2048x512xf32>
    %broadcast_in_dim3A_292 = vector.shape_cast %get3A_286 : vector<512xf32> to vector<1x512xf32>
    %add3A_293 = vector.broadcast %broadcast_in_dim3A_292 : vector<1x512xf32> to vector<2048x512xf32>
    %add3A_294 = arith.addf %add3A_291, %add3A_293 : vector<2048x512xf32>
    %reduce_min3A_295 = arith.constant dense<0x7F800000> : vector<2048xf32>
    %reduce_min3A_296 = vector.multi_reduction <minimumf>, %add3A_294, %reduce_min3A_295 [1] : vector<2048x512xf32> to vector<2048xf32>
    %broadcast_in_dim3A_297 = vector.shape_cast %reduce_min3A_296 : vector<2048xf32> to vector<2048x1xf32>
    %eq3A_298 = vector.broadcast %broadcast_in_dim3A_297 : vector<2048x1xf32> to vector<2048x512xf32>
    %eq3A_299 = arith.cmpf oeq, %add3A_294, %eq3A_298 : vector<2048x512xf32>
    %jit3A_300 = arith.constant 1.638400e+04 : f32
    %broadcast_in_dim3A_301 = vector.broadcast %jit3A_300 : f32 to vector<2048x512xf32>
    %select_n3A_302 = arith.select %eq3A_299, %convert_element_type3A, %broadcast_in_dim3A_301 : vector<2048x512xi1>, vector<2048x512xf32>
    %reduce_min3A_303 = arith.constant dense<0x7F800000> : vector<2048xf32>
    %reduce_min3A_304 = vector.multi_reduction <minimumf>, %select_n3A_302, %reduce_min3A_303 [1] : vector<2048x512xf32> to vector<2048xf32>
    %add3A_305 = arith.constant 4.096000e+03 : f32
    %add3A_306 = vector.broadcast %add3A_305 : f32 to vector<2048xf32>
    %add3A_307 = arith.addf %reduce_min3A_304, %add3A_306 : vector<2048xf32>
    %lt3A_308 = arith.cmpf olt, %reduce_min3A_296, %select_n3A_277 : vector<2048xf32>
    %select_n3A_309 = arith.select %lt3A_308, %reduce_min3A_296, %select_n3A_277 : vector<2048xi1>, vector<2048xf32>
    %select_n3A_310 = arith.select %lt3A_308, %add3A_307, %select_n3A_278 : vector<2048xi1>, vector<2048xf32>
    %get3A_311 = arith.constant 4608 : index
    %get3A_312 = arith.constant 0 : index
    %get3A_313 = vector.load %arg3[%get3A_311, %get3A_312] : memref<8192x256xf32, #tpu.memory_space<vmem>>, vector<512x256xf32>
    %mul3A_314 = arith.constant -2.000000e+00 : f32
    %mul3A_315 = vector.broadcast %mul3A_314 : f32 to vector<512x256xf32>
    %mul3A_316 = arith.mulf %get3A_313, %mul3A_315 : vector<512x256xf32>
    %get3A_317 = arith.constant 4608 : index
    %get3A_318 = vector.load %arg1[%get3A_317] : memref<8192xf32, #tpu.memory_space<vmem>>, vector<512xf32>
    %dot_general3A_319 = arith.constant dense<0.000000e+00> : vector<2048x512xf32>
    %dot_general3A_320 = tpu.matmul %get3A_1, %mul3A_316, %dot_general3A_319 {dimension_numbers = #tpu.dot_dimension_numbers<[1], [1], [0], [0], [0, 0, 1, 0], [], []>, transpose_lhs_hint = false} : vector<2048x256xf32>, vector<512x256xf32>, vector<2048x512xf32> -> vector<2048x512xf32>
    %broadcast_in_dim3A_321 = vector.shape_cast %reduce_sum3A_2 : vector<2048xf32> to vector<2048x1xf32>
    %add3A_322 = vector.broadcast %broadcast_in_dim3A_321 : vector<2048x1xf32> to vector<2048x512xf32>
    %add3A_323 = arith.addf %add3A_322, %dot_general3A_320 : vector<2048x512xf32>
    %broadcast_in_dim3A_324 = vector.shape_cast %get3A_318 : vector<512xf32> to vector<1x512xf32>
    %add3A_325 = vector.broadcast %broadcast_in_dim3A_324 : vector<1x512xf32> to vector<2048x512xf32>
    %add3A_326 = arith.addf %add3A_323, %add3A_325 : vector<2048x512xf32>
    %reduce_min3A_327 = arith.constant dense<0x7F800000> : vector<2048xf32>
    %reduce_min3A_328 = vector.multi_reduction <minimumf>, %add3A_326, %reduce_min3A_327 [1] : vector<2048x512xf32> to vector<2048xf32>
    %broadcast_in_dim3A_329 = vector.shape_cast %reduce_min3A_328 : vector<2048xf32> to vector<2048x1xf32>
    %eq3A_330 = vector.broadcast %broadcast_in_dim3A_329 : vector<2048x1xf32> to vector<2048x512xf32>
    %eq3A_331 = arith.cmpf oeq, %add3A_326, %eq3A_330 : vector<2048x512xf32>
    %jit3A_332 = arith.constant 1.638400e+04 : f32
    %broadcast_in_dim3A_333 = vector.broadcast %jit3A_332 : f32 to vector<2048x512xf32>
    %select_n3A_334 = arith.select %eq3A_331, %convert_element_type3A, %broadcast_in_dim3A_333 : vector<2048x512xi1>, vector<2048x512xf32>
    %reduce_min3A_335 = arith.constant dense<0x7F800000> : vector<2048xf32>
    %reduce_min3A_336 = vector.multi_reduction <minimumf>, %select_n3A_334, %reduce_min3A_335 [1] : vector<2048x512xf32> to vector<2048xf32>
    %add3A_337 = arith.constant 4.608000e+03 : f32
    %add3A_338 = vector.broadcast %add3A_337 : f32 to vector<2048xf32>
    %add3A_339 = arith.addf %reduce_min3A_336, %add3A_338 : vector<2048xf32>
    %lt3A_340 = arith.cmpf olt, %reduce_min3A_328, %select_n3A_309 : vector<2048xf32>
    %select_n3A_341 = arith.select %lt3A_340, %reduce_min3A_328, %select_n3A_309 : vector<2048xi1>, vector<2048xf32>
    %select_n3A_342 = arith.select %lt3A_340, %add3A_339, %select_n3A_310 : vector<2048xi1>, vector<2048xf32>
    %get3A_343 = arith.constant 5120 : index
    %get3A_344 = arith.constant 0 : index
    %get3A_345 = vector.load %arg3[%get3A_343, %get3A_344] : memref<8192x256xf32, #tpu.memory_space<vmem>>, vector<512x256xf32>
    %mul3A_346 = arith.constant -2.000000e+00 : f32
    %mul3A_347 = vector.broadcast %mul3A_346 : f32 to vector<512x256xf32>
    %mul3A_348 = arith.mulf %get3A_345, %mul3A_347 : vector<512x256xf32>
    %get3A_349 = arith.constant 5120 : index
    %get3A_350 = vector.load %arg1[%get3A_349] : memref<8192xf32, #tpu.memory_space<vmem>>, vector<512xf32>
    %dot_general3A_351 = arith.constant dense<0.000000e+00> : vector<2048x512xf32>
    %dot_general3A_352 = tpu.matmul %get3A_1, %mul3A_348, %dot_general3A_351 {dimension_numbers = #tpu.dot_dimension_numbers<[1], [1], [0], [0], [0, 0, 1, 0], [], []>, transpose_lhs_hint = false} : vector<2048x256xf32>, vector<512x256xf32>, vector<2048x512xf32> -> vector<2048x512xf32>
    %broadcast_in_dim3A_353 = vector.shape_cast %reduce_sum3A_2 : vector<2048xf32> to vector<2048x1xf32>
    %add3A_354 = vector.broadcast %broadcast_in_dim3A_353 : vector<2048x1xf32> to vector<2048x512xf32>
    %add3A_355 = arith.addf %add3A_354, %dot_general3A_352 : vector<2048x512xf32>
    %broadcast_in_dim3A_356 = vector.shape_cast %get3A_350 : vector<512xf32> to vector<1x512xf32>
    %add3A_357 = vector.broadcast %broadcast_in_dim3A_356 : vector<1x512xf32> to vector<2048x512xf32>
    %add3A_358 = arith.addf %add3A_355, %add3A_357 : vector<2048x512xf32>
    %ge3A_359 = arith.constant -2.384000e+03 : f32
    %ge3A_360 = vector.broadcast %ge3A_359 : f32 to vector<2048x512xf32>
    %ge3A_361 = arith.cmpf oge, %convert_element_type3A, %ge3A_360 : vector<2048x512xf32>
    %lt3A_362 = arith.constant 3.520000e+02 : f32
    %lt3A_363 = vector.broadcast %lt3A_362 : f32 to vector<2048x512xf32>
    %lt3A_364 = arith.cmpf olt, %convert_element_type3A, %lt3A_363 : vector<2048x512xf32>
    %and3A_365 = arith.andi %ge3A_361, %lt3A_364 : vector<2048x512xi1>
    %jit3A_366 = arith.constant 0x7F800000 : f32
    %broadcast_in_dim3A_367 = vector.broadcast %jit3A_366 : f32 to vector<2048x512xf32>
    %select_n3A_368 = arith.select %and3A_365, %add3A_358, %broadcast_in_dim3A_367 : vector<2048x512xi1>, vector<2048x512xf32>
    %reduce_min3A_369 = arith.constant dense<0x7F800000> : vector<2048xf32>
    %reduce_min3A_370 = vector.multi_reduction <minimumf>, %select_n3A_368, %reduce_min3A_369 [1] : vector<2048x512xf32> to vector<2048xf32>
    %broadcast_in_dim3A_371 = vector.shape_cast %reduce_min3A_370 : vector<2048xf32> to vector<2048x1xf32>
    %eq3A_372 = vector.broadcast %broadcast_in_dim3A_371 : vector<2048x1xf32> to vector<2048x512xf32>
    %eq3A_373 = arith.cmpf oeq, %select_n3A_368, %eq3A_372 : vector<2048x512xf32>
    %jit3A_374 = arith.constant 1.638400e+04 : f32
    %broadcast_in_dim3A_375 = vector.broadcast %jit3A_374 : f32 to vector<2048x512xf32>
    %select_n3A_376 = arith.select %eq3A_373, %convert_element_type3A, %broadcast_in_dim3A_375 : vector<2048x512xi1>, vector<2048x512xf32>
    %reduce_min3A_377 = arith.constant dense<0x7F800000> : vector<2048xf32>
    %reduce_min3A_378 = vector.multi_reduction <minimumf>, %select_n3A_376, %reduce_min3A_377 [1] : vector<2048x512xf32> to vector<2048xf32>
    %add3A_379 = arith.constant 5.120000e+03 : f32
    %add3A_380 = vector.broadcast %add3A_379 : f32 to vector<2048xf32>
    %add3A_381 = arith.addf %reduce_min3A_378, %add3A_380 : vector<2048xf32>
    %lt3A_382 = arith.cmpf olt, %reduce_min3A_370, %select_n3A_341 : vector<2048xf32>
    %select_n3A_383 = arith.select %lt3A_382, %reduce_min3A_370, %select_n3A_341 : vector<2048xi1>, vector<2048xf32>
    %select_n3A_384 = arith.select %lt3A_382, %add3A_381, %select_n3A_342 : vector<2048xi1>, vector<2048xf32>
    %ge3A_385 = arith.constant 3.520000e+02 : f32
    %ge3A_386 = vector.broadcast %ge3A_385 : f32 to vector<2048x512xf32>
    %ge3A_387 = arith.cmpf oge, %convert_element_type3A, %ge3A_386 : vector<2048x512xf32>
    %lt3A_388 = arith.constant 3.072000e+03 : f32
    %lt3A_389 = vector.broadcast %lt3A_388 : f32 to vector<2048x512xf32>
    %lt3A_390 = arith.cmpf olt, %convert_element_type3A, %lt3A_389 : vector<2048x512xf32>
    %and3A_391 = arith.andi %ge3A_387, %lt3A_390 : vector<2048x512xi1>
    %jit3A_392 = arith.constant 0x7F800000 : f32
    %broadcast_in_dim3A_393 = vector.broadcast %jit3A_392 : f32 to vector<2048x512xf32>
    %select_n3A_394 = arith.select %and3A_391, %add3A_358, %broadcast_in_dim3A_393 : vector<2048x512xi1>, vector<2048x512xf32>
    %reduce_min3A_395 = arith.constant dense<0x7F800000> : vector<2048xf32>
    %reduce_min3A_396 = vector.multi_reduction <minimumf>, %select_n3A_394, %reduce_min3A_395 [1] : vector<2048x512xf32> to vector<2048xf32>
    %broadcast_in_dim3A_397 = vector.shape_cast %reduce_min3A_396 : vector<2048xf32> to vector<2048x1xf32>
    %eq3A_398 = vector.broadcast %broadcast_in_dim3A_397 : vector<2048x1xf32> to vector<2048x512xf32>
    %eq3A_399 = arith.cmpf oeq, %select_n3A_394, %eq3A_398 : vector<2048x512xf32>
    %jit3A_400 = arith.constant 1.638400e+04 : f32
    %broadcast_in_dim3A_401 = vector.broadcast %jit3A_400 : f32 to vector<2048x512xf32>
    %select_n3A_402 = arith.select %eq3A_399, %convert_element_type3A, %broadcast_in_dim3A_401 : vector<2048x512xi1>, vector<2048x512xf32>
    %reduce_min3A_403 = arith.constant dense<0x7F800000> : vector<2048xf32>
    %reduce_min3A_404 = vector.multi_reduction <minimumf>, %select_n3A_402, %reduce_min3A_403 [1] : vector<2048x512xf32> to vector<2048xf32>
    %add3A_405 = arith.constant 5.120000e+03 : f32
    %add3A_406 = vector.broadcast %add3A_405 : f32 to vector<2048xf32>
    %add3A_407 = arith.addf %reduce_min3A_404, %add3A_406 : vector<2048xf32>
    %get3A_408 = arith.constant 5632 : index
    %get3A_409 = arith.constant 0 : index
    %get3A_410 = vector.load %arg3[%get3A_408, %get3A_409] : memref<8192x256xf32, #tpu.memory_space<vmem>>, vector<512x256xf32>
    %mul3A_411 = arith.constant -2.000000e+00 : f32
    %mul3A_412 = vector.broadcast %mul3A_411 : f32 to vector<512x256xf32>
    %mul3A_413 = arith.mulf %get3A_410, %mul3A_412 : vector<512x256xf32>
    %get3A_414 = arith.constant 5632 : index
    %get3A_415 = vector.load %arg1[%get3A_414] : memref<8192xf32, #tpu.memory_space<vmem>>, vector<512xf32>
    %dot_general3A_416 = arith.constant dense<0.000000e+00> : vector<2048x512xf32>
    %dot_general3A_417 = tpu.matmul %get3A_1, %mul3A_413, %dot_general3A_416 {dimension_numbers = #tpu.dot_dimension_numbers<[1], [1], [0], [0], [0, 0, 1, 0], [], []>, transpose_lhs_hint = false} : vector<2048x256xf32>, vector<512x256xf32>, vector<2048x512xf32> -> vector<2048x512xf32>
    %broadcast_in_dim3A_418 = vector.shape_cast %reduce_sum3A_2 : vector<2048xf32> to vector<2048x1xf32>
    %add3A_419 = vector.broadcast %broadcast_in_dim3A_418 : vector<2048x1xf32> to vector<2048x512xf32>
    %add3A_420 = arith.addf %add3A_419, %dot_general3A_417 : vector<2048x512xf32>
    %broadcast_in_dim3A_421 = vector.shape_cast %get3A_415 : vector<512xf32> to vector<1x512xf32>
    %add3A_422 = vector.broadcast %broadcast_in_dim3A_421 : vector<1x512xf32> to vector<2048x512xf32>
    %add3A_423 = arith.addf %add3A_420, %add3A_422 : vector<2048x512xf32>
    %reduce_min3A_424 = arith.constant dense<0x7F800000> : vector<2048xf32>
    %reduce_min3A_425 = vector.multi_reduction <minimumf>, %add3A_423, %reduce_min3A_424 [1] : vector<2048x512xf32> to vector<2048xf32>
    %broadcast_in_dim3A_426 = vector.shape_cast %reduce_min3A_425 : vector<2048xf32> to vector<2048x1xf32>
    %eq3A_427 = vector.broadcast %broadcast_in_dim3A_426 : vector<2048x1xf32> to vector<2048x512xf32>
    %eq3A_428 = arith.cmpf oeq, %add3A_423, %eq3A_427 : vector<2048x512xf32>
    %jit3A_429 = arith.constant 1.638400e+04 : f32
    %broadcast_in_dim3A_430 = vector.broadcast %jit3A_429 : f32 to vector<2048x512xf32>
    %select_n3A_431 = arith.select %eq3A_428, %convert_element_type3A, %broadcast_in_dim3A_430 : vector<2048x512xi1>, vector<2048x512xf32>
    %reduce_min3A_432 = arith.constant dense<0x7F800000> : vector<2048xf32>
    %reduce_min3A_433 = vector.multi_reduction <minimumf>, %select_n3A_431, %reduce_min3A_432 [1] : vector<2048x512xf32> to vector<2048xf32>
    %add3A_434 = arith.constant 5.632000e+03 : f32
    %add3A_435 = vector.broadcast %add3A_434 : f32 to vector<2048xf32>
    %add3A_436 = arith.addf %reduce_min3A_433, %add3A_435 : vector<2048xf32>
    %lt3A_437 = arith.cmpf olt, %reduce_min3A_425, %reduce_min3A_396 : vector<2048xf32>
    %select_n3A_438 = arith.select %lt3A_437, %reduce_min3A_425, %reduce_min3A_396 : vector<2048xi1>, vector<2048xf32>
    %select_n3A_439 = arith.select %lt3A_437, %add3A_436, %add3A_407 : vector<2048xi1>, vector<2048xf32>
    %get3A_440 = arith.constant 6144 : index
    %get3A_441 = arith.constant 0 : index
    %get3A_442 = vector.load %arg3[%get3A_440, %get3A_441] : memref<8192x256xf32, #tpu.memory_space<vmem>>, vector<512x256xf32>
    %mul3A_443 = arith.constant -2.000000e+00 : f32
    %mul3A_444 = vector.broadcast %mul3A_443 : f32 to vector<512x256xf32>
    %mul3A_445 = arith.mulf %get3A_442, %mul3A_444 : vector<512x256xf32>
    %get3A_446 = arith.constant 6144 : index
    %get3A_447 = vector.load %arg1[%get3A_446] : memref<8192xf32, #tpu.memory_space<vmem>>, vector<512xf32>
    %dot_general3A_448 = arith.constant dense<0.000000e+00> : vector<2048x512xf32>
    %dot_general3A_449 = tpu.matmul %get3A_1, %mul3A_445, %dot_general3A_448 {dimension_numbers = #tpu.dot_dimension_numbers<[1], [1], [0], [0], [0, 0, 1, 0], [], []>, transpose_lhs_hint = false} : vector<2048x256xf32>, vector<512x256xf32>, vector<2048x512xf32> -> vector<2048x512xf32>
    %broadcast_in_dim3A_450 = vector.shape_cast %reduce_sum3A_2 : vector<2048xf32> to vector<2048x1xf32>
    %add3A_451 = vector.broadcast %broadcast_in_dim3A_450 : vector<2048x1xf32> to vector<2048x512xf32>
    %add3A_452 = arith.addf %add3A_451, %dot_general3A_449 : vector<2048x512xf32>
    %broadcast_in_dim3A_453 = vector.shape_cast %get3A_447 : vector<512xf32> to vector<1x512xf32>
    %add3A_454 = vector.broadcast %broadcast_in_dim3A_453 : vector<1x512xf32> to vector<2048x512xf32>
    %add3A_455 = arith.addf %add3A_452, %add3A_454 : vector<2048x512xf32>
    %reduce_min3A_456 = arith.constant dense<0x7F800000> : vector<2048xf32>
    %reduce_min3A_457 = vector.multi_reduction <minimumf>, %add3A_455, %reduce_min3A_456 [1] : vector<2048x512xf32> to vector<2048xf32>
    %broadcast_in_dim3A_458 = vector.shape_cast %reduce_min3A_457 : vector<2048xf32> to vector<2048x1xf32>
    %eq3A_459 = vector.broadcast %broadcast_in_dim3A_458 : vector<2048x1xf32> to vector<2048x512xf32>
    %eq3A_460 = arith.cmpf oeq, %add3A_455, %eq3A_459 : vector<2048x512xf32>
    %jit3A_461 = arith.constant 1.638400e+04 : f32
    %broadcast_in_dim3A_462 = vector.broadcast %jit3A_461 : f32 to vector<2048x512xf32>
    %select_n3A_463 = arith.select %eq3A_460, %convert_element_type3A, %broadcast_in_dim3A_462 : vector<2048x512xi1>, vector<2048x512xf32>
    %reduce_min3A_464 = arith.constant dense<0x7F800000> : vector<2048xf32>
    %reduce_min3A_465 = vector.multi_reduction <minimumf>, %select_n3A_463, %reduce_min3A_464 [1] : vector<2048x512xf32> to vector<2048xf32>
    %add3A_466 = arith.constant 6.144000e+03 : f32
    %add3A_467 = vector.broadcast %add3A_466 : f32 to vector<2048xf32>
    %add3A_468 = arith.addf %reduce_min3A_465, %add3A_467 : vector<2048xf32>
    %lt3A_469 = arith.cmpf olt, %reduce_min3A_457, %select_n3A_438 : vector<2048xf32>
    %select_n3A_470 = arith.select %lt3A_469, %reduce_min3A_457, %select_n3A_438 : vector<2048xi1>, vector<2048xf32>
    %select_n3A_471 = arith.select %lt3A_469, %add3A_468, %select_n3A_439 : vector<2048xi1>, vector<2048xf32>
    %get3A_472 = arith.constant 6656 : index
    %get3A_473 = arith.constant 0 : index
    %get3A_474 = vector.load %arg3[%get3A_472, %get3A_473] : memref<8192x256xf32, #tpu.memory_space<vmem>>, vector<512x256xf32>
    %mul3A_475 = arith.constant -2.000000e+00 : f32
    %mul3A_476 = vector.broadcast %mul3A_475 : f32 to vector<512x256xf32>
    %mul3A_477 = arith.mulf %get3A_474, %mul3A_476 : vector<512x256xf32>
    %get3A_478 = arith.constant 6656 : index
    %get3A_479 = vector.load %arg1[%get3A_478] : memref<8192xf32, #tpu.memory_space<vmem>>, vector<512xf32>
    %dot_general3A_480 = arith.constant dense<0.000000e+00> : vector<2048x512xf32>
    %dot_general3A_481 = tpu.matmul %get3A_1, %mul3A_477, %dot_general3A_480 {dimension_numbers = #tpu.dot_dimension_numbers<[1], [1], [0], [0], [0, 0, 1, 0], [], []>, transpose_lhs_hint = false} : vector<2048x256xf32>, vector<512x256xf32>, vector<2048x512xf32> -> vector<2048x512xf32>
    %broadcast_in_dim3A_482 = vector.shape_cast %reduce_sum3A_2 : vector<2048xf32> to vector<2048x1xf32>
    %add3A_483 = vector.broadcast %broadcast_in_dim3A_482 : vector<2048x1xf32> to vector<2048x512xf32>
    %add3A_484 = arith.addf %add3A_483, %dot_general3A_481 : vector<2048x512xf32>
    %broadcast_in_dim3A_485 = vector.shape_cast %get3A_479 : vector<512xf32> to vector<1x512xf32>
    %add3A_486 = vector.broadcast %broadcast_in_dim3A_485 : vector<1x512xf32> to vector<2048x512xf32>
    %add3A_487 = arith.addf %add3A_484, %add3A_486 : vector<2048x512xf32>
    %reduce_min3A_488 = arith.constant dense<0x7F800000> : vector<2048xf32>
    %reduce_min3A_489 = vector.multi_reduction <minimumf>, %add3A_487, %reduce_min3A_488 [1] : vector<2048x512xf32> to vector<2048xf32>
    %broadcast_in_dim3A_490 = vector.shape_cast %reduce_min3A_489 : vector<2048xf32> to vector<2048x1xf32>
    %eq3A_491 = vector.broadcast %broadcast_in_dim3A_490 : vector<2048x1xf32> to vector<2048x512xf32>
    %eq3A_492 = arith.cmpf oeq, %add3A_487, %eq3A_491 : vector<2048x512xf32>
    %jit3A_493 = arith.constant 1.638400e+04 : f32
    %broadcast_in_dim3A_494 = vector.broadcast %jit3A_493 : f32 to vector<2048x512xf32>
    %select_n3A_495 = arith.select %eq3A_492, %convert_element_type3A, %broadcast_in_dim3A_494 : vector<2048x512xi1>, vector<2048x512xf32>
    %reduce_min3A_496 = arith.constant dense<0x7F800000> : vector<2048xf32>
    %reduce_min3A_497 = vector.multi_reduction <minimumf>, %select_n3A_495, %reduce_min3A_496 [1] : vector<2048x512xf32> to vector<2048xf32>
    %add3A_498 = arith.constant 6.656000e+03 : f32
    %add3A_499 = vector.broadcast %add3A_498 : f32 to vector<2048xf32>
    %add3A_500 = arith.addf %reduce_min3A_497, %add3A_499 : vector<2048xf32>
    %lt3A_501 = arith.cmpf olt, %reduce_min3A_489, %select_n3A_470 : vector<2048xf32>
    %select_n3A_502 = arith.select %lt3A_501, %reduce_min3A_489, %select_n3A_470 : vector<2048xi1>, vector<2048xf32>
    %select_n3A_503 = arith.select %lt3A_501, %add3A_500, %select_n3A_471 : vector<2048xi1>, vector<2048xf32>
    %get3A_504 = arith.constant 7168 : index
    %get3A_505 = arith.constant 0 : index
    %get3A_506 = vector.load %arg3[%get3A_504, %get3A_505] : memref<8192x256xf32, #tpu.memory_space<vmem>>, vector<512x256xf32>
    %mul3A_507 = arith.constant -2.000000e+00 : f32
    %mul3A_508 = vector.broadcast %mul3A_507 : f32 to vector<512x256xf32>
    %mul3A_509 = arith.mulf %get3A_506, %mul3A_508 : vector<512x256xf32>
    %get3A_510 = arith.constant 7168 : index
    %get3A_511 = vector.load %arg1[%get3A_510] : memref<8192xf32, #tpu.memory_space<vmem>>, vector<512xf32>
    %dot_general3A_512 = arith.constant dense<0.000000e+00> : vector<2048x512xf32>
    %dot_general3A_513 = tpu.matmul %get3A_1, %mul3A_509, %dot_general3A_512 {dimension_numbers = #tpu.dot_dimension_numbers<[1], [1], [0], [0], [0, 0, 1, 0], [], []>, transpose_lhs_hint = false} : vector<2048x256xf32>, vector<512x256xf32>, vector<2048x512xf32> -> vector<2048x512xf32>
    %broadcast_in_dim3A_514 = vector.shape_cast %reduce_sum3A_2 : vector<2048xf32> to vector<2048x1xf32>
    %add3A_515 = vector.broadcast %broadcast_in_dim3A_514 : vector<2048x1xf32> to vector<2048x512xf32>
    %add3A_516 = arith.addf %add3A_515, %dot_general3A_513 : vector<2048x512xf32>
    %broadcast_in_dim3A_517 = vector.shape_cast %get3A_511 : vector<512xf32> to vector<1x512xf32>
    %add3A_518 = vector.broadcast %broadcast_in_dim3A_517 : vector<1x512xf32> to vector<2048x512xf32>
    %add3A_519 = arith.addf %add3A_516, %add3A_518 : vector<2048x512xf32>
    %reduce_min3A_520 = arith.constant dense<0x7F800000> : vector<2048xf32>
    %reduce_min3A_521 = vector.multi_reduction <minimumf>, %add3A_519, %reduce_min3A_520 [1] : vector<2048x512xf32> to vector<2048xf32>
    %broadcast_in_dim3A_522 = vector.shape_cast %reduce_min3A_521 : vector<2048xf32> to vector<2048x1xf32>
    %eq3A_523 = vector.broadcast %broadcast_in_dim3A_522 : vector<2048x1xf32> to vector<2048x512xf32>
    %eq3A_524 = arith.cmpf oeq, %add3A_519, %eq3A_523 : vector<2048x512xf32>
    %jit3A_525 = arith.constant 1.638400e+04 : f32
    %broadcast_in_dim3A_526 = vector.broadcast %jit3A_525 : f32 to vector<2048x512xf32>
    %select_n3A_527 = arith.select %eq3A_524, %convert_element_type3A, %broadcast_in_dim3A_526 : vector<2048x512xi1>, vector<2048x512xf32>
    %reduce_min3A_528 = arith.constant dense<0x7F800000> : vector<2048xf32>
    %reduce_min3A_529 = vector.multi_reduction <minimumf>, %select_n3A_527, %reduce_min3A_528 [1] : vector<2048x512xf32> to vector<2048xf32>
    %add3A_530 = arith.constant 7.168000e+03 : f32
    %add3A_531 = vector.broadcast %add3A_530 : f32 to vector<2048xf32>
    %add3A_532 = arith.addf %reduce_min3A_529, %add3A_531 : vector<2048xf32>
    %lt3A_533 = arith.cmpf olt, %reduce_min3A_521, %select_n3A_502 : vector<2048xf32>
    %select_n3A_534 = arith.select %lt3A_533, %reduce_min3A_521, %select_n3A_502 : vector<2048xi1>, vector<2048xf32>
    %select_n3A_535 = arith.select %lt3A_533, %add3A_532, %select_n3A_503 : vector<2048xi1>, vector<2048xf32>
    %get3A_536 = arith.constant 7680 : index
    %get3A_537 = arith.constant 0 : index
    %get3A_538 = vector.load %arg3[%get3A_536, %get3A_537] : memref<8192x256xf32, #tpu.memory_space<vmem>>, vector<512x256xf32>
    %mul3A_539 = arith.constant -2.000000e+00 : f32
    %mul3A_540 = vector.broadcast %mul3A_539 : f32 to vector<512x256xf32>
    %mul3A_541 = arith.mulf %get3A_538, %mul3A_540 : vector<512x256xf32>
    %get3A_542 = arith.constant 7680 : index
    %get3A_543 = vector.load %arg1[%get3A_542] : memref<8192xf32, #tpu.memory_space<vmem>>, vector<512xf32>
    %dot_general3A_544 = arith.constant dense<0.000000e+00> : vector<2048x512xf32>
    %dot_general3A_545 = tpu.matmul %get3A_1, %mul3A_541, %dot_general3A_544 {dimension_numbers = #tpu.dot_dimension_numbers<[1], [1], [0], [0], [0, 0, 1, 0], [], []>, transpose_lhs_hint = false} : vector<2048x256xf32>, vector<512x256xf32>, vector<2048x512xf32> -> vector<2048x512xf32>
    %broadcast_in_dim3A_546 = vector.shape_cast %reduce_sum3A_2 : vector<2048xf32> to vector<2048x1xf32>
    %add3A_547 = vector.broadcast %broadcast_in_dim3A_546 : vector<2048x1xf32> to vector<2048x512xf32>
    %add3A_548 = arith.addf %add3A_547, %dot_general3A_545 : vector<2048x512xf32>
    %broadcast_in_dim3A_549 = vector.shape_cast %get3A_543 : vector<512xf32> to vector<1x512xf32>
    %add3A_550 = vector.broadcast %broadcast_in_dim3A_549 : vector<1x512xf32> to vector<2048x512xf32>
    %add3A_551 = arith.addf %add3A_548, %add3A_550 : vector<2048x512xf32>
    %reduce_min3A_552 = arith.constant dense<0x7F800000> : vector<2048xf32>
    %reduce_min3A_553 = vector.multi_reduction <minimumf>, %add3A_551, %reduce_min3A_552 [1] : vector<2048x512xf32> to vector<2048xf32>
    %broadcast_in_dim3A_554 = vector.shape_cast %reduce_min3A_553 : vector<2048xf32> to vector<2048x1xf32>
    %eq3A_555 = vector.broadcast %broadcast_in_dim3A_554 : vector<2048x1xf32> to vector<2048x512xf32>
    %eq3A_556 = arith.cmpf oeq, %add3A_551, %eq3A_555 : vector<2048x512xf32>
    %jit3A_557 = arith.constant 1.638400e+04 : f32
    %broadcast_in_dim3A_558 = vector.broadcast %jit3A_557 : f32 to vector<2048x512xf32>
    %select_n3A_559 = arith.select %eq3A_556, %convert_element_type3A, %broadcast_in_dim3A_558 : vector<2048x512xi1>, vector<2048x512xf32>
    %reduce_min3A_560 = arith.constant dense<0x7F800000> : vector<2048xf32>
    %reduce_min3A_561 = vector.multi_reduction <minimumf>, %select_n3A_559, %reduce_min3A_560 [1] : vector<2048x512xf32> to vector<2048xf32>
    %add3A_562 = arith.constant 7.680000e+03 : f32
    %add3A_563 = vector.broadcast %add3A_562 : f32 to vector<2048xf32>
    %add3A_564 = arith.addf %reduce_min3A_561, %add3A_563 : vector<2048xf32>
    %lt3A_565 = arith.cmpf olt, %reduce_min3A_553, %select_n3A_534 : vector<2048xf32>
    %select_n3A_566 = arith.select %lt3A_565, %reduce_min3A_553, %select_n3A_534 : vector<2048xi1>, vector<2048xf32>
    %select_n3A_567 = arith.select %lt3A_565, %add3A_564, %select_n3A_535 : vector<2048xi1>, vector<2048xf32>
    %convert_element_type3A_568 = arith.truncf %select_n3A_190 : vector<2048xf32> to vector<2048xbf16>
    %convert_element_type3A_569 = arith.extf %convert_element_type3A_568 : vector<2048xbf16> to vector<2048xf32>
    %lt3A_570 = arith.cmpf olt, %select_n3A_383, %convert_element_type3A_569 : vector<2048xf32>
    %select_n3A_571 = arith.select %lt3A_570, %select_n3A_383, %convert_element_type3A_569 : vector<2048xi1>, vector<2048xf32>
    %select_n3A_572 = arith.select %lt3A_570, %select_n3A_384, %select_n3A_191 : vector<2048xi1>, vector<2048xf32>
    %convert_element_type3A_573 = arith.truncf %select_n3A_571 : vector<2048xf32> to vector<2048xbf16>
    %convert_element_type3A_574 = arith.extf %convert_element_type3A_573 : vector<2048xbf16> to vector<2048xf32>
    %lt3A_575 = arith.cmpf olt, %select_n3A_566, %convert_element_type3A_574 : vector<2048xf32>
    %select_n3A_576 = arith.select %lt3A_575, %select_n3A_567, %select_n3A_572 : vector<2048xi1>, vector<2048xf32>
    %convert_element_type3A_577 = arith.fptosi %select_n3A_576 : vector<2048xf32> to vector<2048xi32>
    %swap3A = arith.constant 0 : index
    %swap3A_578 = vector.load %arg4[%swap3A] : memref<2048xi32, #tpu.memory_space<vmem>>, vector<2048xi32>
    tpu.vector_store %arg4[%swap3A], %convert_element_type3A_577 {strides = array<i32>} : memref<2048xi32, #tpu.memory_space<vmem>>, vector<2048xi32>,
    return
  }
  func.func @transform_0(%arg0: i32) -> i32 {
    %c0_i32 = arith.constant 0 : i32
    %c0_i32_0 = arith.constant 0 : i32
    return %c0_i32 : i32
  }
  func.func @transform_1(%arg0: i32) -> (i32, i32) {
    %c0_i32 = arith.constant 0 : i32
    %c0_i32_0 = arith.constant 0 : i32
    return %arg0, %c0_i32 : i32, i32
  }
  func.func @transform_2(%arg0: i32) -> (i32, i32) {
    %c0_i32 = arith.constant 0 : i32
    %c0_i32_0 = arith.constant 0 : i32
    %c0_i32_1 = arith.constant 0 : i32
    return %c0_i32, %c0_i32_0 : i32, i32
  }
  func.func @transform_3(%arg0: i32) -> i32 {
    %c0_i32 = arith.constant 0 : i32
    return %arg0 : i32
  }
}

</mosaic_0001>

<sc_bundles>
// kernel: kernel.4.cloned.1.call-start
scs
__scs_entry_jumppad:
0x0: {  	(pc) =	sbr.rel $0x88, $3  }
0x1: {  	(tag) =	ssettag $0x0;
	lr =	simm.s32 $0x1  }
0x2: {  	[smem:$0x3F9F] =	sst lr;
	_ =	strace $0xD0000000  }
0x3: {  	_ = 	snop  }
0x4: {  	_ = 	snop  }
0x5: {  	_ = 	snop  }
0x6: {  	_ = 	snop  }
0x7: {  	_ = 	snop  }
__scs_overlays_trampoline_lowered:
0x8: {  	[smem:$0x3FAE] =	sst s0  }
0x9: {  	[smem:$0x3FAF] =	sst s1  }
0xa: {  	[smem:$0x3FB0] =	sst s2  }
0xb: {  	[smem:$0x3FB1] =	sst s3  }
0xc: {  	[smem:$0x3FB2] =	sst s4  }
0xd: {  	[smem:$0x3FB3] =	sst s5  }
0xe: {  	[smem:$0x3FB4] =	sst s6  }
0xf: {  	[smem:$0x3FB5] =	sst s7  }
0x10: {  	[smem:$0x3FB6] =	sst s8  }
0x11: {  	[smem:$0x3FB7] =	sst s9;
	s0 =	simm.s32 @!p0 $0x0  }
0x12: {  	s1 =	sld [smem:$0x3F9D];
	s0 =	simm.s32 @p0 $0x1  }
0x13: {  	[smem:$0x3FB8] =	sst s0;
	s0 =	simm.s32 @!p1 $0x0  }
0x14: {  	s2 =	sld [smem:$0x3F9C];
	s0 =	simm.s32 @p1 $0x1  }
0x15: {  	[smem:$0x3FB9] =	sst s0;
	s0 =	simm.s32 @!p2 $0x0  }
0x16: {  	s3 =	sld [smem:$0x3FDB];
	s0 =	simm.s32 @p2 $0x1  }
0x17: {  	s4 =	simm.s32 $0x1BF5;
	[smem:$0x3FBB] =	sst s0  }
0x18: {  	s0 =	sld [smem:$0x3F9E];
	_ =	swait.ge [sflag:s4], $0x0  }
0x19: {  	s7 =	sld [smem:$0x3F9F]  }
0x1a: {  	s8 =	sadd.s32 $0xFFFFE003, lr  }
0x1b: {  	s9 =	sadd.s32 $0xFFFFFEF7, lr;
	s5 =	simm.s32 $0xFFFFFFFF;
	p2 =	slt.u32 s8, $0xFFFFF086  }
0x1c: {  	p1 =	slt.u32 s9, $0xF7A;
	s5 =	simm.s32 @!p2 $0x0  }
0x1d: {  	s5 =	simm.s32 @p1 $0x1;
	p0 =	seq.s32 s7, s2  }
0x1e: {  	s7 =	smul.u32 @!p0 $0xF7A, s2;
	p2 =	seq.s32 @!p0 s5, $0x0  }
0x1f: {  	s9 =	smul.u32 $0xF7A, s1;
	s8 =	simm.s32 @!p0 $0x1BF5;
	p2 =	por !p2, p0  }
0x20: {  	[sflag:s8] =	ssyncset.s32 @!p0 $0xFFFFF086;
	s6 =	sadd.s32 @!p0 s3, s7;
	s7 =	simm.s32 @!p0 $0x108  }
0x21: {  	s3 =	sadd.s32 s3, s9;
	s6 =	sadd.s32 @!p0 $0x88, s6;
	s7 =	simm.s32 @p2 $0x1082  }
0x22: {  	[simem:s7], [sflag:s8] =	dma.local @!p0 [hbm:s6], $0xF7A  }
0x23: {  	s9 =	sor.u32 $0xD0000000, s2;
	s6 =	simm.s32 $0x108;
	_ =	swait.ge @!p0 [sflag:s8], $0x0  }
0x24: {  	s3 =	sadd.s32 $0x88, s3;
	s6 =	simm.s32 @!p1 $0x1082;
	[sflag:s4] =	ssyncset.s32 $0xFFFFF086  }
0x25: {  	[simem:s6], [sflag:s4] =	dma.local [hbm:s3], $0xF7A  }
0x26: {  	[smem:$0x3F9F] =	sst s1;
	(tag) =	ssettag s2;
	_ =	strace s9  }
0x27: {  	s1 =	sld [smem:$0x3FAF]  }
0x28: {  	s2 =	sld [smem:$0x3FB0]  }
0x29: {  	s4 =	sld [smem:$0x3FB2]  }
0x2a: {  	p0 =	seq.s32 s5, $0x0;
	s5 =	sld [smem:$0x3FB3]  }
0x2b: {  	s6 =	sld [smem:$0x3FB4]  }
0x2c: {  	s7 =	sld [smem:$0x3FB5]  }
0x2d: {  	s3 =	simm.s32 $0x108;
	s8 =	sld [smem:$0x3FB6]  }
0x2e: {  	s3 =	simm.s32 @!p0 $0x1082;
	s9 =	sld [smem:$0x3FB7]  }
0x2f: {  	lr =	sadd.s32 s0, s3;
	s0 =	sld [smem:$0x3FAE]  }
0x30: {  	s3 =	sld [smem:$0x3FB1]  }
0x31: {  	[smem:$0x3FBA] =	sst s10  }
0x32: {  	s10 =	sld [smem:$0x3FB8];
	_ =	sdelay $0x3  }
0x33: {  	p0 =	seq.s32 s10, $0x1;
	s10 =	sld [smem:$0x3FBA];
	_ =	sdelay $0x3  }
0x34: {  	[smem:$0x3FBA] =	sst s10  }
0x35: {  	s10 =	sld [smem:$0x3FB9];
	_ =	sdelay $0x3  }
0x36: {  	p1 =	seq.s32 s10, $0x1;
	s10 =	sld [smem:$0x3FBA];
	_ =	sdelay $0x3  }
0x37: {  	[smem:$0x3FBA] =	sst s10  }
0x38: {  	s10 =	sld [smem:$0x3FBB]  }
0x39: {  	_ = 	snop;
	(pc) =	sbr.ind lr, $3  }
0x3a: {  	_ = 	snop  }
0x3b: {  	_ = 	snop  }
0x3c: {  	p2 =	seq.s32 s10, $0x1;
	s10 =	sld [smem:$0x3FBA]  }
0x3d: {  	_ =	shalt  }
0x3e: {  	_ =	shalt  }
0x3f: {  	_ =	shalt  }
0x40: {  	_ =	shalt  }
0x41: {  	_ =	shalt  }
0x42: {  	_ =	shalt  }
0x43: {  	_ =	shalt  }
0x44: {  	_ =	shalt  }
0x45: {  	_ =	shalt  }
0x46: {  	_ =	shalt  }
0x47: {  	_ =	shalt  }
0x48: {  	_ =	shalt  }
0x49: {  	_ =	shalt  }
0x4a: {  	_ =	shalt  }
0x4b: {  	_ =	shalt  }
0x4c: {  	_ =	shalt  }
0x4d: {  	_ =	shalt  }
0x4e: {  	_ =	shalt  }
0x4f: {  	_ =	shalt  }
0x50: {  	_ =	shalt  }
0x51: {  	_ =	shalt  }
0x52: {  	_ =	shalt  }
0x53: {  	_ =	shalt  }
0x54: {  	_ =	shalt  }
0x55: {  	_ =	shalt  }
0x56: {  	_ =	shalt  }
0x57: {  	_ =	shalt  }
0x58: {  	_ =	shalt  }
0x59: {  	_ =	shalt  }
0x5a: {  	_ =	shalt  }
0x5b: {  	_ =	shalt  }
0x5c: {  	_ =	shalt  }
0x5d: {  	_ =	shalt  }
0x5e: {  	_ =	shalt  }
0x5f: {  	_ =	shalt  }
0x60: {  	_ =	shalt  }
0x61: {  	_ =	shalt  }
0x62: {  	_ =	shalt  }
0x63: {  	_ =	shalt  }
0x64: {  	_ =	shalt  }
0x65: {  	_ =	shalt  }
0x66: {  	_ =	shalt  }
0x67: {  	_ =	shalt  }
0x68: {  	_ =	shalt  }
0x69: {  	_ =	shalt  }
0x6a: {  	_ =	shalt  }
0x6b: {  	_ =	shalt  }
0x6c: {  	_ =	shalt  }
0x6d: {  	_ =	shalt  }
0x6e: {  	_ =	shalt  }
0x6f: {  	_ =	shalt  }
0x70: {  	_ =	shalt  }
0x71: {  	_ =	shalt  }
0x72: {  	_ =	shalt  }
0x73: {  	_ =	shalt  }
0x74: {  	_ =	shalt  }
0x75: {  	_ =	shalt  }
0x76: {  	_ =	shalt  }
0x77: {  	_ =	shalt  }
0x78: {  	_ =	shalt  }
0x79: {  	_ =	shalt  }
0x7a: {  	_ =	shalt  }
0x7b: {  	_ =	shalt  }
0x7c: {  	_ =	shalt  }
0x7d: {  	_ =	shalt  }
0x7e: {  	_ =	shalt  }
0x7f: {  	_ =	shalt  }
0x80: {  	_ =	shalt  }
0x81: {  	_ =	shalt  }
0x82: {  	_ =	shalt  }
0x83: {  	_ =	shalt  }
0x84: {  	_ =	shalt  }
0x85: {  	_ =	shalt  }
0x86: {  	_ =	shalt  }
0x87: {  	_ =	shalt  }
.Lfunc_end0:
.L_simem_size_0:
called_computation_lowered:
.L_overlay_start_0:
0x88: {  	s2 =	sld [smem:$0x3FD9]  }
0x89: {  	s3 =	sld [smem:$0x3FFE];
	_ =	sdelay $0x1  }
0x8a: {  	s1 =	srdreg.scid  }
0x8b: {  	s0 =	sand.u32 $0x1, s1  }
0x8c: {  	s17 =	sshll.u32 s0, $0xA;
	s2 =	sadd.s32 s3, s2  }
0x8d: {  	s2 =	sadd.s32 s2, s17  }
0x8e: {  	[smem:$0x3FC6] =	sst s2  }
0x8f: {  	_ = 	snop  }
0x90: {  	s2 =	sld [smem:$0x3FC8]  }
0x91: {  	s18 =	sld [smem:$0x3FD0];
	(tm) =	ssettm $0x1  }
0x92: {  	s4 =	sld [smem:$0x3FFB];
	_ =	sdelay $0x3  }
0x93: {  	_ =	strace s4  }
0x94: {  	s4 =	sld [smem:$0x3FFC];
	_ =	sdelay $0x3  }
0x95: {  	_ =	strace s4  }
0x96: {  	s4 =	sld [smem:$0x3FFD];
	_ =	sdelay $0x3  }
0x97: {  	_ =	strace s4  }
0x98: {  	_ =	strace $0x8FFFFFFF  }
0x99: {  	s19 =	sld [smem:$0x3FDB];
	_ =	sdelay $0x1  }
0x9a: {  	s5 =	simm.s32 $_scs_section_size  }
0x9b: {  	s6 =	simm.s32 $_size__tile_overlayer_lowered;
	s7 =	simm.s32 $_tile_overlayer_lowered  }
0x9c: {  	s22 =	simm.s32 $0x1BFF;
	s21 =	sshll.u32 s7, $0x1;
	s4 =	sadd.s32 s5, s19  }
0x9d: {  	s8 =	simm.s32 $0x0;
	s20 =	sshll.u32 s6, $0x1;
	s6 =	sadd.s32 s21, s4  }
0x9e: {  	[timem:s8], [sflag:s22] =	dma.local [hbm:s6], s20  }
0x9f: {  	_ =	swait.ge [sflag:s22], s20  }
0xa0: {  	s5 =	ssub.s32 $0x0, s20;
	[sflag:s22] =	ssyncset.done $0x0  }
0xa1: {  	[sflag:s22] =	ssyncadd.s32 s5;
	_ =	sdelay $0x1  }
0xa2: {  	s23 =	simm.s32 $0x1B8B  }
0xa3: {  	_ =	swait.ge [sflag:s23], $0x1  }
0xa4: {  	[sflag:s23] =	ssyncset.done $0x0  }
0xa5: {  	s25 =	simm.s32 $0x1B8E;
	s24 =	sld [smem:$0x3FFE];
	[sflag:s23] =	ssyncadd.s32 $0xFFFFFFFF  }
0xa6: {  	s26 =	simm.s32 $execute0_lowered;
	[smem:$0x3FD2] =	sst s25  }
0xa7: {  	s6 =	sshll.u32 s26, $0x1;
	_ =	strace $0x80000046;
	[dreg:$0x1] =	wrdreg $0xFFFFFFFF  }
0xa8: {  	s28 =	simm.s32 $_size_execute0_lowered;
	s4 =	sadd.s32 s4, s6;
	[dreg:$0x0] =	wrdreg $0x0  }
0xa9: {  	s6 =	sshll.u32 s28, $0x1;
	[dreg:$0x2] =	wrdreg s4  }
0xaa: {  	[dreg:$0x3] =	wrdreg s6  }
0xab: {  	[dreg:$0x4] =	wrdreg $0xC0  }
0xac: {  	_ =	task [dreg:s8], $0x5FFFF  }
0xad: {  	[dreg:$0x1] =	wrdreg $0xFFFFFFFF  }
0xae: {  	[dreg:$0x0] =	wrdreg $0x60  }
0xaf: {  	[dreg:$0x2] =	wrdreg s24  }
0xb0: {  	[dreg:$0x3] =	wrdreg s2  }
0xb1: {  	[dreg:$0x4] =	wrdreg s18  }
0xb2: {  	[dreg:$0x5] =	wrdreg $0x9  }
0xb3: {  	_ =	task.clear_ibuf [dreg:s8], $0x6FFFF;
	_ =	strace $0x90000046  }
0xb4: {  	s29 =	simm.s32 $0x9;
	_ =	strace $0x80000048  }
0xb5: {  	_ =	swait.ge [sflag:s29], $0x1  }
0xb6: {  	[sflag:s29] =	ssyncadd.s32 $0xFFFFFFFF  }
0xb7: {  	_ =	strace $0x90000048  }
0xb8: {  	_ =	sfence  }
0xb9: {  	s30 =	sld [smem:$0x0];
	_ =	sdelay $0x2  }
0xba: {  	s31 =	sshll.u32 s1, $0xD;
	s1 =	sshrl.u32 s1, $0x2  }
0xbb: {  	s3 =	sand.u32 $0x4000, s31;
	s1 =	sadd.s32 s1, s30  }
0xbc: {  	s0 =	sor.u32 s3, s0;
	s1 =	sshll.u32 s1, $0x11  }
0xbd: {  	s0 =	sor.u32 s1, s0  }
0xbe: {  	s0 =	sadd.s32 $0x8F2B, s0  }
0xbf: {  	[sflag:s0] =	ssyncadd.remote.s32 $0x1  }
0xc0: {  	_ =	sfence.sel $0xFFFF  }
0xc1: {  	[dreg:$0x0] =	wrdreg $0xFFFFFFFF;
	(pc) =	sbr.abs _section_cstart, $3  }
0xc2: {  	[dreg:$0x1] =	wrdreg $0xFFFFFFFF  }
0xc3: {  	_ =	task.clear_ibuf [dreg:s8], $0x2FFFF;
	_ =	strace $0x9FFFFFFF  }
0xc4: {  	(tm) =	ssettm $0x7FFFFFFF  }
0xc5: {  	_ =	shalt  }
tec
execute0_lowered:
.L_overlay_start_1:
0x0: {  	(tag) =	ssettag $0x1  }
0x1: {  	s0 =	srdreg.scid;
	s1 =	rddreg [dreg:$0x0]  }
0x2: {  	s3 =	stileid.u32;
	s2 =	rddreg [dreg:$0x1]  }
0x3: {  	s5 =	rddreg [dreg:$0x2];
	s15 =	simm.s32 $0x2;
	s17 =	simm.s32 $0x1200  }
0x4: {  	s18 =	simm.s32 $0x1A00;
	s19 =	simm.s32 $0x2200;
	s20 =	simm.s32 $0x2A00  }
0x5: {  	s21 =	simm.s32 $0x3200;
	s22 =	simm.s32 $0x3A00;
	s28 =	simm.s32 $0x5A00  }
0x6: {  	s29 =	simm.s32 $0x6200;
	s30 =	simm.s32 $0x6A00;
	s31 =	simm.s32 $0x7200  }
0x7: {  	s8 =	simm.s32 $0x9200;
	s9 =	simm.s32 $0x9A00;
	s10 =	simm.s32 $0xA200  }
0x8: {  	s11 =	simm.s32 $0xAA00;
	s13 =	simm.s32 $0xBA00;
	s0 =	sand.u32 $0x1, s0  }
0x9: {  	s14 =	simm.s32 $0x200;
	s3 =	sshll.u32 s3, $0xA;
	s4 =	sshll.u32 s0, $0x9  }
0xa: {  	s0 =	ssub.s32 $0x2, s0;
	s4 =	sor.u32 s4, s3;
	s3 =	simm.s32 $0x0  }
0xb: {  	s25 =	sshrl.u32 s0, $0x1;
	s6 =	sshrl.u32 s4, $0x3;
	s4 =	sshll.u32 s4, $0x5  }
0xc: {  	[smem:$0x7FF] =	sst s3;
	s1 =	sadd.s32 s6, s1;
	s4 =	sadd.s32 s5, s4  }
0xd: {  	_ =	strace $0x80000047;
	s1 =	sadd.s32 $0x400, s1;
	[dreg:$0x8] =	wrdreg s4  }
0xe: {  	s0 =	ssub.s32 s0, s25;
	s23 =	sadd.s32 $0x1000, s4;
	[dreg:$0x4] =	wrdreg s1  }
0xf: {  	s25 =	simm.s32 $0x4A00;
	s24 =	sadd.s32 $0x2000, s4;
	[dreg:$0x5] =	wrdreg s23  }
0x10: {  	v2 =	vlaneseq.u32;
	s5 =	smax.u32 s0, $0x1;
	s26 =	sadd.s32 $0x3000, s4;
	[dreg:$0x6] =	wrdreg s24  }
0x11: {  	vm0 =	vmmov $0xffff;
	v1 =	vshrl.u32 v2, $0x3;
	s6 =	simm.s32 $0x3;
	s4 =	simm.s32 $0x1;
	[dreg:$0x7] =	wrdreg s26  }
0x12: {  	v0 =	vand.u32 $0x7, v2;
	v2 =	vor.u32 $0x8, v2;
	v1 =	vmul.u32 $0x8, v1;
	s24 =	simm.s32 $0x4200;
	s26 =	simm.s32 $0x5200;
	s23 =	simm.s32 $0x8A00  }
.LBB2_1:
0x13: {  	s16 =	rddreg [dreg:$0x4]  }
0x14: {  	[tilespmem:s3], [sflag:$0x3] =	stream.linear.gather [hbm4b:s16+s3], $0x200, $0x38;
	[tilespmem:$0x10200] =	vst v63  }
0x15: {  	_ =	swait.ge [sflag:s6], $0x200  }
0x16: {  	[sflag:s6] =	ssyncset.done $0x0  }
0x17: {  	[sflag:s6] =	ssyncadd.s32 $0xFFFFFE00  }
0x18: {  	v3 =	vld [tilespmem:$0x0];
	_ =	sdelay $0x4  }
0x19: {  	v4 =	vshll.u32 v3, $0x1  }
0x1a: {  	v3 =	vand.u32 $0x7, v3;
	v4 =	vand.u32 $0xFFFFFFF0, v4  }
0x1b: {  	v3 =	vor.u32 v3, v4  }
0x1c: {  	v4 =	vperm.xlane v3, v0;
	_ =	sdelay $0x1  }
0x1d: {  	v3 =	vperm.xlane v3, v2;
	v4 =	vadd.s32 v1, v4;
	_ =	sdelay $0x1  }
0x1e: {  	v3 =	vadd.s32 v1, v3;
	_ =	sdelay $0x1  }
0x1f: {  	s0 =	simm.s32 $0x200  }
0x20: {  	[tilespmem:s0], [sflag:$0x1] =	stream.indirect_vreg.gather [hbm4b:s2+s3], $0x80, v4, vm0, $0xb8;
	[tilespmem:$0x10200] =	vst v63  }
0x21: {  	s16 =	simm.s32 $0xA00  }
0x22: {  	[tilespmem:s16], [sflag:$0x1] =	stream.indirect_vreg.gather [hbm4b:s2+s3], $0x80, v3, vm0, $0xb8;
	[tilespmem:$0x10200] =	vst v63  }
0x23: {  	v3 =	vld [tilespmem:$0x10];
	_ =	sdelay $0x4  }
0x24: {  	v33 =	vshll.u32 v3, $0x1  }
0x25: {  	v3 =	vand.u32 $0x7, v3;
	v4 =	vand.u32 $0xFFFFFFF0, v33  }
0x26: {  	v3 =	vor.u32 v3, v4  }
0x27: {  	v4 =	vperm.xlane v3, v0;
	_ =	sdelay $0x1  }
0x28: {  	v3 =	vperm.xlane v3, v2;
	v4 =	vadd.s32 v1, v4;
	_ =	sdelay $0x1  }
0x29: {  	v3 =	vadd.s32 v1, v3;
	_ =	sdelay $0x2  }
0x2a: {  	[tilespmem:s17], [sflag:$0x1] =	stream.indirect_vreg.gather [hbm4b:s2+s3], $0x80, v4, vm0, $0xb8;
	[tilespmem:$0x10200] =	vst v63  }
0x2b: {  	_ = 	snop  }
0x2c: {  	[tilespmem:s18], [sflag:$0x1] =	stream.indirect_vreg.gather [hbm4b:s2+s3], $0x80, v3, vm0, $0xb8;
	[tilespmem:$0x10200] =	vst v63  }
0x2d: {  	v3 =	vld [tilespmem:$0x20];
	_ =	sdelay $0x4  }
0x2e: {  	v34 =	vshll.u32 v3, $0x1  }
0x2f: {  	v3 =	vand.u32 $0x7, v3;
	v4 =	vand.u32 $0xFFFFFFF0, v34  }
0x30: {  	v3 =	vor.u32 v3, v4  }
0x31: {  	v4 =	vperm.xlane v3, v0;
	_ =	sdelay $0x1  }
0x32: {  	v3 =	vperm.xlane v3, v2;
	v4 =	vadd.s32 v1, v4;
	_ =	sdelay $0x1  }
0x33: {  	v3 =	vadd.s32 v1, v3;
	_ =	sdelay $0x2  }
0x34: {  	[tilespmem:s19], [sflag:$0x1] =	stream.indirect_vreg.gather [hbm4b:s2+s3], $0x80, v4, vm0, $0xb8;
	[tilespmem:$0x10200] =	vst v63  }
0x35: {  	_ = 	snop  }
0x36: {  	[tilespmem:s20], [sflag:$0x1] =	stream.indirect_vreg.gather [hbm4b:s2+s3], $0x80, v3, vm0, $0xb8;
	[tilespmem:$0x10200] =	vst v63  }
0x37: {  	v3 =	vld [tilespmem:$0x30];
	_ =	sdelay $0x4  }
0x38: {  	v35 =	vshll.u32 v3, $0x1  }
0x39: {  	v3 =	vand.u32 $0x7, v3;
	v4 =	vand.u32 $0xFFFFFFF0, v35  }
0x3a: {  	v3 =	vor.u32 v3, v4  }
0x3b: {  	v4 =	vperm.xlane v3, v0;
	_ =	sdelay $0x1  }
0x3c: {  	v3 =	vperm.xlane v3, v2;
	v4 =	vadd.s32 v1, v4;
	_ =	sdelay $0x1  }
0x3d: {  	v3 =	vadd.s32 v1, v3;
	_ =	sdelay $0x2  }
0x3e: {  	[tilespmem:s21], [sflag:$0x1] =	stream.indirect_vreg.gather [hbm4b:s2+s3], $0x80, v4, vm0, $0xb8;
	[tilespmem:$0x10200] =	vst v63  }
0x3f: {  	_ = 	snop  }
0x40: {  	[tilespmem:s22], [sflag:$0x1] =	stream.indirect_vreg.gather [hbm4b:s2+s3], $0x80, v3, vm0, $0xb8;
	[tilespmem:$0x10200] =	vst v63  }
0x41: {  	v3 =	vld [tilespmem:$0x40];
	_ =	sdelay $0x4  }
0x42: {  	v36 =	vshll.u32 v3, $0x1  }
0x43: {  	v3 =	vand.u32 $0x7, v3;
	v4 =	vand.u32 $0xFFFFFFF0, v36  }
0x44: {  	v3 =	vor.u32 v3, v4  }
0x45: {  	v4 =	vperm.xlane v3, v0;
	_ =	sdelay $0x1  }
0x46: {  	v3 =	vperm.xlane v3, v2;
	v4 =	vadd.s32 v1, v4;
	_ =	sdelay $0x1  }
0x47: {  	v3 =	vadd.s32 v1, v3;
	_ =	sdelay $0x2  }
0x48: {  	[tilespmem:s24], [sflag:$0x1] =	stream.indirect_vreg.gather [hbm4b:s2+s3], $0x80, v4, vm0, $0xb8;
	[tilespmem:$0x10200] =	vst v63  }
0x49: {  	_ = 	snop  }
0x4a: {  	[tilespmem:s25], [sflag:$0x1] =	stream.indirect_vreg.gather [hbm4b:s2+s3], $0x80, v3, vm0, $0xb8;
	[tilespmem:$0x10200] =	vst v63  }
0x4b: {  	v3 =	vld [tilespmem:$0x50];
	_ =	sdelay $0x4  }
0x4c: {  	v37 =	vshll.u32 v3, $0x1  }
0x4d: {  	v3 =	vand.u32 $0x7, v3;
	v4 =	vand.u32 $0xFFFFFFF0, v37  }
0x4e: {  	v3 =	vor.u32 v3, v4  }
0x4f: {  	v4 =	vperm.xlane v3, v0;
	_ =	sdelay $0x1  }
0x50: {  	v3 =	vperm.xlane v3, v2;
	v4 =	vadd.s32 v1, v4;
	_ =	sdelay $0x1  }
0x51: {  	v3 =	vadd.s32 v1, v3;
	_ =	sdelay $0x2  }
0x52: {  	[tilespmem:s26], [sflag:$0x1] =	stream.indirect_vreg.gather [hbm4b:s2+s3], $0x80, v4, vm0, $0xb8;
	[tilespmem:$0x10200] =	vst v63  }
0x53: {  	_ = 	snop  }
0x54: {  	[tilespmem:s28], [sflag:$0x1] =	stream.indirect_vreg.gather [hbm4b:s2+s3], $0x80, v3, vm0, $0xb8;
	[tilespmem:$0x10200] =	vst v63  }
0x55: {  	v3 =	vld [tilespmem:$0x60];
	_ =	sdelay $0x4  }
0x56: {  	v38 =	vshll.u32 v3, $0x1  }
0x57: {  	v3 =	vand.u32 $0x7, v3;
	v4 =	vand.u32 $0xFFFFFFF0, v38  }
0x58: {  	v3 =	vor.u32 v3, v4  }
0x59: {  	v4 =	vperm.xlane v3, v0;
	_ =	sdelay $0x1  }
0x5a: {  	v3 =	vperm.xlane v3, v2;
	v4 =	vadd.s32 v1, v4;
	_ =	sdelay $0x1  }
0x5b: {  	v3 =	vadd.s32 v1, v3;
	_ =	sdelay $0x2  }
0x5c: {  	[tilespmem:s29], [sflag:$0x1] =	stream.indirect_vreg.gather [hbm4b:s2+s3], $0x80, v4, vm0, $0xb8;
	[tilespmem:$0x10200] =	vst v63  }
0x5d: {  	_ = 	snop  }
0x5e: {  	[tilespmem:s30], [sflag:$0x1] =	stream.indirect_vreg.gather [hbm4b:s2+s3], $0x80, v3, vm0, $0xb8;
	[tilespmem:$0x10200] =	vst v63  }
0x5f: {  	v3 =	vld [tilespmem:$0x70];
	_ =	sdelay $0x4  }
0x60: {  	v39 =	vshll.u32 v3, $0x1  }
0x61: {  	v3 =	vand.u32 $0x7, v3;
	v4 =	vand.u32 $0xFFFFFFF0, v39  }
0x62: {  	v3 =	vor.u32 v3, v4  }
0x63: {  	v4 =	vperm.xlane v3, v0;
	_ =	sdelay $0x1  }
0x64: {  	v3 =	vperm.xlane v3, v2;
	v4 =	vadd.s32 v1, v4;
	_ =	sdelay $0x1  }
0x65: {  	v3 =	vadd.s32 v1, v3;
	_ =	sdelay $0x2  }
0x66: {  	[tilespmem:s31], [sflag:$0x1] =	stream.indirect_vreg.gather [hbm4b:s2+s3], $0x80, v4, vm0, $0xb8;
	[tilespmem:$0x10200] =	vst v63  }
0x67: {  	s1 =	simm.s32 $0x7A00  }
0x68: {  	[tilespmem:s1], [sflag:$0x1] =	stream.indirect_vreg.gather [hbm4b:s2+s3], $0x80, v3, vm0, $0xb8;
	[tilespmem:$0x10200] =	vst v63  }
0x69: {  	v3 =	vld [tilespmem:$0x80];
	_ =	sdelay $0x4  }
0x6a: {  	v40 =	vshll.u32 v3, $0x1  }
0x6b: {  	v3 =	vand.u32 $0x7, v3;
	v4 =	vand.u32 $0xFFFFFFF0, v40  }
0x6c: {  	v3 =	vor.u32 v3, v4  }
0x6d: {  	v4 =	vperm.xlane v3, v0;
	_ =	sdelay $0x1  }
0x6e: {  	v3 =	vperm.xlane v3, v2;
	v4 =	vadd.s32 v1, v4;
	_ =	sdelay $0x1  }
0x6f: {  	v3 =	vadd.s32 v1, v3;
	_ =	sdelay $0x1  }
0x70: {  	s0 =	simm.s32 $0x8200  }
0x71: {  	[tilespmem:s0], [sflag:$0x2] =	stream.indirect_vreg.gather [hbm4b:s2+s3], $0x80, v4, vm0, $0xb8;
	[tilespmem:$0x10200] =	vst v63  }
0x72: {  	_ = 	snop  }
0x73: {  	[tilespmem:s23], [sflag:$0x2] =	stream.indirect_vreg.gather [hbm4b:s2+s3], $0x80, v3, vm0, $0xb8;
	[tilespmem:$0x10200] =	vst v63  }
0x74: {  	v3 =	vld [tilespmem:$0x90];
	_ =	sdelay $0x4  }
0x75: {  	v41 =	vshll.u32 v3, $0x1  }
0x76: {  	v3 =	vand.u32 $0x7, v3;
	v4 =	vand.u32 $0xFFFFFFF0, v41  }
0x77: {  	v3 =	vor.u32 v3, v4  }
0x78: {  	v4 =	vperm.xlane v3, v0;
	_ =	sdelay $0x1  }
0x79: {  	v3 =	vperm.xlane v3, v2;
	v4 =	vadd.s32 v1, v4;
	_ =	sdelay $0x1  }
0x7a: {  	v3 =	vadd.s32 v1, v3;
	_ =	sdelay $0x2  }
0x7b: {  	[tilespmem:s8], [sflag:$0x2] =	stream.indirect_vreg.gather [hbm4b:s2+s3], $0x80, v4, vm0, $0xb8;
	[tilespmem:$0x10200] =	vst v63  }
0x7c: {  	_ = 	snop  }
0x7d: {  	[tilespmem:s9], [sflag:$0x2] =	stream.indirect_vreg.gather [hbm4b:s2+s3], $0x80, v3, vm0, $0xb8;
	[tilespmem:$0x10200] =	vst v63  }
0x7e: {  	v3 =	vld [tilespmem:$0xA0];
	_ =	sdelay $0x4  }
0x7f: {  	v42 =	vshll.u32 v3, $0x1  }
0x80: {  	v3 =	vand.u32 $0x7, v3;
	v4 =	vand.u32 $0xFFFFFFF0, v42  }
0x81: {  	v3 =	vor.u32 v3, v4  }
0x82: {  	v4 =	vperm.xlane v3, v0;
	_ =	sdelay $0x1  }
0x83: {  	v3 =	vperm.xlane v3, v2;
	v4 =	vadd.s32 v1, v4;
	_ =	sdelay $0x1  }
0x84: {  	v3 =	vadd.s32 v1, v3;
	_ =	sdelay $0x2  }
0x85: {  	[tilespmem:s10], [sflag:$0x2] =	stream.indirect_vreg.gather [hbm4b:s2+s3], $0x80, v4, vm0, $0xb8;
	[tilespmem:$0x10200] =	vst v63  }
0x86: {  	_ = 	snop  }
0x87: {  	[tilespmem:s11], [sflag:$0x2] =	stream.indirect_vreg.gather [hbm4b:s2+s3], $0x80, v3, vm0, $0xb8;
	[tilespmem:$0x10200] =	vst v63  }
0x88: {  	v3 =	vld [tilespmem:$0xB0];
	_ =	sdelay $0x4  }
0x89: {  	v43 =	vshll.u32 v3, $0x1  }
0x8a: {  	v3 =	vand.u32 $0x7, v3;
	v4 =	vand.u32 $0xFFFFFFF0, v43  }
0x8b: {  	v3 =	vor.u32 v3, v4  }
0x8c: {  	v4 =	vperm.xlane v3, v0;
	_ =	sdelay $0x1  }
0x8d: {  	v3 =	vperm.xlane v3, v2;
	v4 =	vadd.s32 v1, v4;
	_ =	sdelay $0x1  }
0x8e: {  	v3 =	vadd.s32 v1, v3;
	_ =	sdelay $0x1  }
0x8f: {  	s7 =	simm.s32 $0xB200  }
0x90: {  	[tilespmem:s7], [sflag:$0x2] =	stream.indirect_vreg.gather [hbm4b:s2+s3], $0x80, v4, vm0, $0xb8;
	[tilespmem:$0x10200] =	vst v63  }
0x91: {  	_ = 	snop  }
0x92: {  	[tilespmem:s13], [sflag:$0x2] =	stream.indirect_vreg.gather [hbm4b:s2+s3], $0x80, v3, vm0, $0xb8;
	[tilespmem:$0x10200] =	vst v63  }
0x93: {  	v3 =	vld [tilespmem:$0xC0];
	_ =	sdelay $0x4  }
0x94: {  	v44 =	vshll.u32 v3, $0x1  }
0x95: {  	v3 =	vand.u32 $0x7, v3;
	v4 =	vand.u32 $0xFFFFFFF0, v44  }
0x96: {  	v3 =	vor.u32 v3, v4  }
0x97: {  	v4 =	vperm.xlane v3, v0;
	_ =	sdelay $0x1  }
0x98: {  	v3 =	vperm.xlane v3, v2;
	v4 =	vadd.s32 v1, v4;
	_ =	sdelay $0x1  }
0x99: {  	v3 =	vadd.s32 v1, v3;
	_ =	sdelay $0x1  }
0x9a: {  	s7 =	simm.s32 $0xC200  }
0x9b: {  	[tilespmem:s7], [sflag:$0x2] =	stream.indirect_vreg.gather [hbm4b:s2+s3], $0x80, v4, vm0, $0xb8;
	[tilespmem:$0x10200] =	vst v63  }
0x9c: {  	s12 =	simm.s32 $0xCA00  }
0x9d: {  	[tilespmem:s12], [sflag:$0x2] =	stream.indirect_vreg.gather [hbm4b:s2+s3], $0x80, v3, vm0, $0xb8;
	[tilespmem:$0x10200] =	vst v63  }
0x9e: {  	v3 =	vld [tilespmem:$0xD0];
	_ =	sdelay $0x4  }
0x9f: {  	v45 =	vshll.u32 v3, $0x1  }
0xa0: {  	v3 =	vand.u32 $0x7, v3;
	v4 =	vand.u32 $0xFFFFFFF0, v45  }
0xa1: {  	v3 =	vor.u32 v3, v4  }
0xa2: {  	v4 =	vperm.xlane v3, v0;
	_ =	sdelay $0x1  }
0xa3: {  	v3 =	vperm.xlane v3, v2;
	v4 =	vadd.s32 v1, v4;
	_ =	sdelay $0x1  }
0xa4: {  	v3 =	vadd.s32 v1, v3;
	_ =	sdelay $0x1  }
0xa5: {  	s12 =	simm.s32 $0xD200  }
0xa6: {  	[tilespmem:s12], [sflag:$0x2] =	stream.indirect_vreg.gather [hbm4b:s2+s3], $0x80, v4, vm0, $0xb8;
	[tilespmem:$0x10200] =	vst v63  }
0xa7: {  	s12 =	simm.s32 $0xDA00  }
0xa8: {  	[tilespmem:s12], [sflag:$0x2] =	stream.indirect_vreg.gather [hbm4b:s2+s3], $0x80, v3, vm0, $0xb8;
	[tilespmem:$0x10200] =	vst v63  }
0xa9: {  	v3 =	vld [tilespmem:$0xE0];
	_ =	sdelay $0x4  }
0xaa: {  	v46 =	vshll.u32 v3, $0x1  }
0xab: {  	v3 =	vand.u32 $0x7, v3;
	v4 =	vand.u32 $0xFFFFFFF0, v46  }
0xac: {  	v3 =	vor.u32 v3, v4  }
0xad: {  	v4 =	vperm.xlane v3, v0;
	_ =	sdelay $0x1  }
0xae: {  	v3 =	vperm.xlane v3, v2;
	v4 =	vadd.s32 v1, v4;
	_ =	sdelay $0x1  }
0xaf: {  	v3 =	vadd.s32 v1, v3;
	_ =	sdelay $0x1  }
0xb0: {  	s12 =	simm.s32 $0xE200  }
0xb1: {  	[tilespmem:s12], [sflag:$0x2] =	stream.indirect_vreg.gather [hbm4b:s2+s3], $0x80, v4, vm0, $0xb8;
	[tilespmem:$0x10200] =	vst v63  }
0xb2: {  	s12 =	simm.s32 $0xEA00  }
0xb3: {  	[tilespmem:s12], [sflag:$0x2] =	stream.indirect_vreg.gather [hbm4b:s2+s3], $0x80, v3, vm0, $0xb8;
	[tilespmem:$0x10200] =	vst v63  }
0xb4: {  	v3 =	vld [tilespmem:$0xF0];
	_ =	sdelay $0x4  }
0xb5: {  	v47 =	vshll.u32 v3, $0x1  }
0xb6: {  	v3 =	vand.u32 $0x7, v3;
	v4 =	vand.u32 $0xFFFFFFF0, v47  }
0xb7: {  	v3 =	vor.u32 v3, v4  }
0xb8: {  	v4 =	vperm.xlane v3, v0;
	_ =	sdelay $0x1  }
0xb9: {  	v3 =	vperm.xlane v3, v2;
	v4 =	vadd.s32 v1, v4;
	_ =	sdelay $0x1  }
0xba: {  	v3 =	vadd.s32 v1, v3;
	_ =	sdelay $0x1  }
0xbb: {  	s12 =	simm.s32 $0xF200  }
0xbc: {  	[tilespmem:s12], [sflag:$0x2] =	stream.indirect_vreg.gather [hbm4b:s2+s3], $0x80, v4, vm0, $0xb8;
	[tilespmem:$0x10200] =	vst v63  }
0xbd: {  	s12 =	simm.s32 $0xFA00  }
0xbe: {  	[tilespmem:s12], [sflag:$0x2] =	stream.indirect_vreg.gather [hbm4b:s2+s3], $0x80, v3, vm0, $0xb8;
	[tilespmem:$0x10200] =	vst v63  }
0xbf: {  	_ =	swait.ge [sflag:s4], $0x8000  }
0xc0: {  	[sflag:s4] =	ssyncset.done $0x0  }
0xc1: {  	s12 =	rddreg [dreg:$0x8];
	[sflag:s4] =	ssyncadd.s32 $0xFFFF8000  }
0xc2: {  	[hbm4b:s12+s3] =	stream.linear.scatter [tilespmem:s14], [sflag:$0x3], $0x8000, $0x38;
	[tilespmem:$0x10200] =	vst v63  }
0xc3: {  	_ =	swait.ge [sflag:s6], $0x8000  }
0xc4: {  	[sflag:s6] =	ssyncset.done $0x0  }
0xc5: {  	[sflag:s6] =	ssyncadd.s32 $0xFFFF8000  }
0xc6: {  	v3 =	vld [tilespmem:$0x100];
	_ =	sdelay $0x4  }
0xc7: {  	v48 =	vshll.u32 v3, $0x1  }
0xc8: {  	v3 =	vand.u32 $0x7, v3;
	v4 =	vand.u32 $0xFFFFFFF0, v48  }
0xc9: {  	v3 =	vor.u32 v3, v4  }
0xca: {  	v4 =	vperm.xlane v3, v0;
	_ =	sdelay $0x1  }
0xcb: {  	v3 =	vperm.xlane v3, v2;
	v4 =	vadd.s32 v1, v4;
	_ =	sdelay $0x1  }
0xcc: {  	v3 =	vadd.s32 v1, v3;
	_ =	sdelay $0x2  }
0xcd: {  	[tilespmem:s14], [sflag:$0x1] =	stream.indirect_vreg.gather [hbm4b:s2+s3], $0x80, v4, vm0, $0xb8;
	[tilespmem:$0x10200] =	vst v63  }
0xce: {  	_ = 	snop  }
0xcf: {  	[tilespmem:s16], [sflag:$0x1] =	stream.indirect_vreg.gather [hbm4b:s2+s3], $0x80, v3, vm0, $0xb8;
	[tilespmem:$0x10200] =	vst v63  }
0xd0: {  	v3 =	vld [tilespmem:$0x110];
	_ =	sdelay $0x4  }
0xd1: {  	v49 =	vshll.u32 v3, $0x1  }
0xd2: {  	v3 =	vand.u32 $0x7, v3;
	v4 =	vand.u32 $0xFFFFFFF0, v49  }
0xd3: {  	v3 =	vor.u32 v3, v4  }
0xd4: {  	v4 =	vperm.xlane v3, v0;
	_ =	sdelay $0x1  }
0xd5: {  	v3 =	vperm.xlane v3, v2;
	v4 =	vadd.s32 v1, v4;
	_ =	sdelay $0x1  }
0xd6: {  	v3 =	vadd.s32 v1, v3;
	_ =	sdelay $0x2  }
0xd7: {  	[tilespmem:s17], [sflag:$0x1] =	stream.indirect_vreg.gather [hbm4b:s2+s3], $0x80, v4, vm0, $0xb8;
	[tilespmem:$0x10200] =	vst v63  }
0xd8: {  	_ = 	snop  }
0xd9: {  	[tilespmem:s18], [sflag:$0x1] =	stream.indirect_vreg.gather [hbm4b:s2+s3], $0x80, v3, vm0, $0xb8;
	[tilespmem:$0x10200] =	vst v63  }
0xda: {  	v3 =	vld [tilespmem:$0x120];
	_ =	sdelay $0x4  }
0xdb: {  	v50 =	vshll.u32 v3, $0x1  }
0xdc: {  	v3 =	vand.u32 $0x7, v3;
	v4 =	vand.u32 $0xFFFFFFF0, v50  }
0xdd: {  	v3 =	vor.u32 v3, v4  }
0xde: {  	v4 =	vperm.xlane v3, v0;
	_ =	sdelay $0x1  }
0xdf: {  	v3 =	vperm.xlane v3, v2;
	v4 =	vadd.s32 v1, v4;
	_ =	sdelay $0x1  }
0xe0: {  	v3 =	vadd.s32 v1, v3;
	_ =	sdelay $0x2  }
0xe1: {  	[tilespmem:s19], [sflag:$0x1] =	stream.indirect_vreg.gather [hbm4b:s2+s3], $0x80, v4, vm0, $0xb8;
	[tilespmem:$0x10200] =	vst v63  }
0xe2: {  	_ = 	snop  }
0xe3: {  	[tilespmem:s20], [sflag:$0x1] =	stream.indirect_vreg.gather [hbm4b:s2+s3], $0x80, v3, vm0, $0xb8;
	[tilespmem:$0x10200] =	vst v63  }
0xe4: {  	v3 =	vld [tilespmem:$0x130];
	_ =	sdelay $0x4  }
0xe5: {  	v51 =	vshll.u32 v3, $0x1  }
0xe6: {  	v3 =	vand.u32 $0x7, v3;
	v4 =	vand.u32 $0xFFFFFFF0, v51  }
0xe7: {  	v3 =	vor.u32 v3, v4  }
0xe8: {  	v4 =	vperm.xlane v3, v0;
	_ =	sdelay $0x1  }
0xe9: {  	v3 =	vperm.xlane v3, v2;
	v4 =	vadd.s32 v1, v4;
	_ =	sdelay $0x1  }
0xea: {  	v3 =	vadd.s32 v1, v3;
	_ =	sdelay $0x2  }
0xeb: {  	[tilespmem:s21], [sflag:$0x1] =	stream.indirect_vreg.gather [hbm4b:s2+s3], $0x80, v4, vm0, $0xb8;
	[tilespmem:$0x10200] =	vst v63  }
0xec: {  	_ = 	snop  }
0xed: {  	[tilespmem:s22], [sflag:$0x1] =	stream.indirect_vreg.gather [hbm4b:s2+s3], $0x80, v3, vm0, $0xb8;
	[tilespmem:$0x10200] =	vst v63  }
0xee: {  	v3 =	vld [tilespmem:$0x140];
	_ =	sdelay $0x4  }
0xef: {  	v52 =	vshll.u32 v3, $0x1  }
0xf0: {  	v3 =	vand.u32 $0x7, v3;
	v4 =	vand.u32 $0xFFFFFFF0, v52  }
0xf1: {  	v3 =	vor.u32 v3, v4  }
0xf2: {  	v4 =	vperm.xlane v3, v0;
	_ =	sdelay $0x1  }
0xf3: {  	v3 =	vperm.xlane v3, v2;
	v4 =	vadd.s32 v1, v4;
	_ =	sdelay $0x1  }
0xf4: {  	v3 =	vadd.s32 v1, v3;
	_ =	sdelay $0x2  }
0xf5: {  	[tilespmem:s24], [sflag:$0x1] =	stream.indirect_vreg.gather [hbm4b:s2+s3], $0x80, v4, vm0, $0xb8;
	[tilespmem:$0x10200] =	vst v63  }
0xf6: {  	_ = 	snop  }
0xf7: {  	[tilespmem:s25], [sflag:$0x1] =	stream.indirect_vreg.gather [hbm4b:s2+s3], $0x80, v3, vm0, $0xb8;
	[tilespmem:$0x10200] =	vst v63  }
0xf8: {  	v3 =	vld [tilespmem:$0x150];
	_ =	sdelay $0x4  }
0xf9: {  	v53 =	vshll.u32 v3, $0x1  }
0xfa: {  	v3 =	vand.u32 $0x7, v3;
	v4 =	vand.u32 $0xFFFFFFF0, v53  }
0xfb: {  	v3 =	vor.u32 v3, v4  }
0xfc: {  	v4 =	vperm.xlane v3, v0;
	_ =	sdelay $0x1  }
0xfd: {  	v3 =	vperm.xlane v3, v2;
	v4 =	vadd.s32 v1, v4;
	_ =	sdelay $0x1  }
0xfe: {  	v3 =	vadd.s32 v1, v3;
	_ =	sdelay $0x2  }
0xff: {  	[tilespmem:s26], [sflag:$0x1] =	stream.indirect_vreg.gather [hbm4b:s2+s3], $0x80, v4, vm0, $0xb8;
	[tilespmem:$0x10200] =	vst v63  }
0x100: {  	_ = 	snop  }
0x101: {  	[tilespmem:s28], [sflag:$0x1] =	stream.indirect_vreg.gather [hbm4b:s2+s3], $0x80, v3, vm0, $0xb8;
	[tilespmem:$0x10200] =	vst v63  }
0x102: {  	v3 =	vld [tilespmem:$0x160];
	_ =	sdelay $0x4  }
0x103: {  	v54 =	vshll.u32 v3, $0x1  }
0x104: {  	v3 =	vand.u32 $0x7, v3;
	v4 =	vand.u32 $0xFFFFFFF0, v54  }
0x105: {  	v3 =	vor.u32 v3, v4  }
0x106: {  	v4 =	vperm.xlane v3, v0;
	_ =	sdelay $0x1  }
0x107: {  	v3 =	vperm.xlane v3, v2;
	v4 =	vadd.s32 v1, v4;
	_ =	sdelay $0x1  }
0x108: {  	v3 =	vadd.s32 v1, v3;
	_ =	sdelay $0x2  }
0x109: {  	[tilespmem:s29], [sflag:$0x1] =	stream.indirect_vreg.gather [hbm4b:s2+s3], $0x80, v4, vm0, $0xb8;
	[tilespmem:$0x10200] =	vst v63  }
0x10a: {  	_ = 	snop  }
0x10b: {  	[tilespmem:s30], [sflag:$0x1] =	stream.indirect_vreg.gather [hbm4b:s2+s3], $0x80, v3, vm0, $0xb8;
	[tilespmem:$0x10200] =	vst v63  }
0x10c: {  	v3 =	vld [tilespmem:$0x170];
	_ =	sdelay $0x4  }
0x10d: {  	v55 =	vshll.u32 v3, $0x1  }
0x10e: {  	v3 =	vand.u32 $0x7, v3;
	v4 =	vand.u32 $0xFFFFFFF0, v55  }
0x10f: {  	v3 =	vor.u32 v3, v4  }
0x110: {  	v4 =	vperm.xlane v3, v0;
	_ =	sdelay $0x1  }
0x111: {  	v3 =	vperm.xlane v3, v2;
	v4 =	vadd.s32 v1, v4;
	_ =	sdelay $0x1  }
0x112: {  	v3 =	vadd.s32 v1, v3;
	_ =	sdelay $0x2  }
0x113: {  	[tilespmem:s31], [sflag:$0x1] =	stream.indirect_vreg.gather [hbm4b:s2+s3], $0x80, v4, vm0, $0xb8;
	[tilespmem:$0x10200] =	vst v63  }
0x114: {  	_ = 	snop  }
0x115: {  	[tilespmem:s1], [sflag:$0x1] =	stream.indirect_vreg.gather [hbm4b:s2+s3], $0x80, v3, vm0, $0xb8;
	[tilespmem:$0x10200] =	vst v63  }
0x116: {  	_ =	swait.ge [sflag:s15], $0x8000  }
0x117: {  	[sflag:s15] =	ssyncset.done $0x0  }
0x118: {  	s1 =	rddreg [dreg:$0x5];
	[sflag:s15] =	ssyncadd.s32 $0xFFFF8000  }
0x119: {  	[hbm4b:s1+s3] =	stream.linear.scatter [tilespmem:s0], [sflag:$0x3], $0x8000, $0x38;
	[tilespmem:$0x10200] =	vst v63  }
0x11a: {  	_ =	swait.ge [sflag:s6], $0x8000  }
0x11b: {  	[sflag:s6] =	ssyncset.done $0x0  }
0x11c: {  	[sflag:s6] =	ssyncadd.s32 $0xFFFF8000  }
0x11d: {  	v3 =	vld [tilespmem:$0x180];
	_ =	sdelay $0x4  }
0x11e: {  	v56 =	vshll.u32 v3, $0x1  }
0x11f: {  	v3 =	vand.u32 $0x7, v3;
	v4 =	vand.u32 $0xFFFFFFF0, v56  }
0x120: {  	v3 =	vor.u32 v3, v4  }
0x121: {  	v4 =	vperm.xlane v3, v0;
	_ =	sdelay $0x1  }
0x122: {  	v3 =	vperm.xlane v3, v2;
	v4 =	vadd.s32 v1, v4;
	_ =	sdelay $0x1  }
0x123: {  	v3 =	vadd.s32 v1, v3;
	_ =	sdelay $0x2  }
0x124: {  	[tilespmem:s0], [sflag:$0x2] =	stream.indirect_vreg.gather [hbm4b:s2+s3], $0x80, v4, vm0, $0xb8;
	[tilespmem:$0x10200] =	vst v63  }
0x125: {  	_ = 	snop  }
0x126: {  	[tilespmem:s23], [sflag:$0x2] =	stream.indirect_vreg.gather [hbm4b:s2+s3], $0x80, v3, vm0, $0xb8;
	[tilespmem:$0x10200] =	vst v63  }
0x127: {  	v3 =	vld [tilespmem:$0x190];
	_ =	sdelay $0x4  }
0x128: {  	v57 =	vshll.u32 v3, $0x1  }
0x129: {  	v3 =	vand.u32 $0x7, v3;
	v4 =	vand.u32 $0xFFFFFFF0, v57  }
0x12a: {  	v3 =	vor.u32 v3, v4  }
0x12b: {  	v4 =	vperm.xlane v3, v0;
	_ =	sdelay $0x1  }
0x12c: {  	v3 =	vperm.xlane v3, v2;
	v4 =	vadd.s32 v1, v4;
	_ =	sdelay $0x1  }
0x12d: {  	v3 =	vadd.s32 v1, v3;
	_ =	sdelay $0x2  }
0x12e: {  	[tilespmem:s8], [sflag:$0x2] =	stream.indirect_vreg.gather [hbm4b:s2+s3], $0x80, v4, vm0, $0xb8;
	[tilespmem:$0x10200] =	vst v63  }
0x12f: {  	_ = 	snop  }
0x130: {  	[tilespmem:s9], [sflag:$0x2] =	stream.indirect_vreg.gather [hbm4b:s2+s3], $0x80, v3, vm0, $0xb8;
	[tilespmem:$0x10200] =	vst v63  }
0x131: {  	v3 =	vld [tilespmem:$0x1A0];
	_ =	sdelay $0x4  }
0x132: {  	v58 =	vshll.u32 v3, $0x1  }
0x133: {  	v3 =	vand.u32 $0x7, v3;
	v4 =	vand.u32 $0xFFFFFFF0, v58  }
0x134: {  	v3 =	vor.u32 v3, v4  }
0x135: {  	v4 =	vperm.xlane v3, v0;
	_ =	sdelay $0x1  }
0x136: {  	v3 =	vperm.xlane v3, v2;
	v4 =	vadd.s32 v1, v4;
	_ =	sdelay $0x1  }
0x137: {  	v3 =	vadd.s32 v1, v3;
	_ =	sdelay $0x2  }
0x138: {  	[tilespmem:s10], [sflag:$0x2] =	stream.indirect_vreg.gather [hbm4b:s2+s3], $0x80, v4, vm0, $0xb8;
	[tilespmem:$0x10200] =	vst v63  }
0x139: {  	_ = 	snop  }
0x13a: {  	[tilespmem:s11], [sflag:$0x2] =	stream.indirect_vreg.gather [hbm4b:s2+s3], $0x80, v3, vm0, $0xb8;
	[tilespmem:$0x10200] =	vst v63  }
0x13b: {  	v3 =	vld [tilespmem:$0x1B0];
	_ =	sdelay $0x4  }
0x13c: {  	v59 =	vshll.u32 v3, $0x1  }
0x13d: {  	v3 =	vand.u32 $0x7, v3;
	v4 =	vand.u32 $0xFFFFFFF0, v59  }
0x13e: {  	v3 =	vor.u32 v3, v4  }
0x13f: {  	v4 =	vperm.xlane v3, v0;
	_ =	sdelay $0x1  }
0x140: {  	v3 =	vperm.xlane v3, v2;
	v4 =	vadd.s32 v1, v4;
	_ =	sdelay $0x1  }
0x141: {  	v3 =	vadd.s32 v1, v3;
	_ =	sdelay $0x1  }
0x142: {  	s16 =	simm.s32 $0xB200  }
0x143: {  	[tilespmem:s16], [sflag:$0x2] =	stream.indirect_vreg.gather [hbm4b:s2+s3], $0x80, v4, vm0, $0xb8;
	[tilespmem:$0x10200] =	vst v63  }
0x144: {  	_ = 	snop  }
0x145: {  	[tilespmem:s13], [sflag:$0x2] =	stream.indirect_vreg.gather [hbm4b:s2+s3], $0x80, v3, vm0, $0xb8;
	[tilespmem:$0x10200] =	vst v63  }
0x146: {  	v3 =	vld [tilespmem:$0x1C0];
	_ =	sdelay $0x4  }
0x147: {  	v60 =	vshll.u32 v3, $0x1  }
0x148: {  	v3 =	vand.u32 $0x7, v3;
	v4 =	vand.u32 $0xFFFFFFF0, v60  }
0x149: {  	v3 =	vor.u32 v3, v4  }
0x14a: {  	v4 =	vperm.xlane v3, v0;
	_ =	sdelay $0x1  }
0x14b: {  	v3 =	vperm.xlane v3, v2;
	v4 =	vadd.s32 v1, v4;
	_ =	sdelay $0x1  }
0x14c: {  	v3 =	vadd.s32 v1, v3;
	_ =	sdelay $0x2  }
0x14d: {  	[tilespmem:s7], [sflag:$0x2] =	stream.indirect_vreg.gather [hbm4b:s2+s3], $0x80, v4, vm0, $0xb8;
	[tilespmem:$0x10200] =	vst v63  }
0x14e: {  	s16 =	simm.s32 $0xCA00  }
0x14f: {  	[tilespmem:s16], [sflag:$0x2] =	stream.indirect_vreg.gather [hbm4b:s2+s3], $0x80, v3, vm0, $0xb8;
	[tilespmem:$0x10200] =	vst v63  }
0x150: {  	v3 =	vld [tilespmem:$0x1D0];
	_ =	sdelay $0x4  }
0x151: {  	v61 =	vshll.u32 v3, $0x1  }
0x152: {  	v3 =	vand.u32 $0x7, v3;
	v4 =	vand.u32 $0xFFFFFFF0, v61  }
0x153: {  	v3 =	vor.u32 v3, v4  }
0x154: {  	v4 =	vperm.xlane v3, v0;
	_ =	sdelay $0x1  }
0x155: {  	v3 =	vperm.xlane v3, v2;
	v4 =	vadd.s32 v1, v4;
	_ =	sdelay $0x1  }
0x156: {  	v3 =	vadd.s32 v1, v3;
	_ =	sdelay $0x1  }
0x157: {  	s7 =	simm.s32 $0xD200  }
0x158: {  	[tilespmem:s7], [sflag:$0x2] =	stream.indirect_vreg.gather [hbm4b:s2+s3], $0x80, v4, vm0, $0xb8;
	[tilespmem:$0x10200] =	vst v63  }
0x159: {  	s16 =	simm.s32 $0xDA00  }
0x15a: {  	[tilespmem:s16], [sflag:$0x2] =	stream.indirect_vreg.gather [hbm4b:s2+s3], $0x80, v3, vm0, $0xb8;
	[tilespmem:$0x10200] =	vst v63  }
0x15b: {  	v3 =	vld [tilespmem:$0x1E0];
	_ =	sdelay $0x4  }
0x15c: {  	v62 =	vshll.u32 v3, $0x1  }
0x15d: {  	v3 =	vand.u32 $0x7, v3;
	v4 =	vand.u32 $0xFFFFFFF0, v62  }
0x15e: {  	v3 =	vor.u32 v3, v4  }
0x15f: {  	v4 =	vperm.xlane v3, v0;
	_ =	sdelay $0x1  }
0x160: {  	v3 =	vperm.xlane v3, v2;
	v4 =	vadd.s32 v1, v4;
	_ =	sdelay $0x1  }
0x161: {  	v3 =	vadd.s32 v1, v3;
	_ =	sdelay $0x1  }
0x162: {  	s7 =	simm.s32 $0xE200  }
0x163: {  	[tilespmem:s7], [sflag:$0x2] =	stream.indirect_vreg.gather [hbm4b:s2+s3], $0x80, v4, vm0, $0xb8;
	[tilespmem:$0x10200] =	vst v63  }
0x164: {  	s16 =	simm.s32 $0xEA00  }
0x165: {  	[tilespmem:s16], [sflag:$0x2] =	stream.indirect_vreg.gather [hbm4b:s2+s3], $0x80, v3, vm0, $0xb8;
	[tilespmem:$0x10200] =	vst v63  }
0x166: {  	v3 =	vld [tilespmem:$0x1F0];
	_ =	sdelay $0x4  }
0x167: {  	v63 =	vshll.u32 v3, $0x1  }
0x168: {  	v3 =	vand.u32 $0x7, v3;
	v4 =	vand.u32 $0xFFFFFFF0, v63  }
0x169: {  	v3 =	vor.u32 v3, v4  }
0x16a: {  	v4 =	vperm.xlane v3, v0;
	_ =	sdelay $0x1  }
0x16b: {  	v3 =	vperm.xlane v3, v2;
	v4 =	vadd.s32 v1, v4;
	_ =	sdelay $0x1  }
0x16c: {  	v3 =	vadd.s32 v1, v3;
	_ =	sdelay $0x1  }
0x16d: {  	s7 =	simm.s32 $0xF200  }
0x16e: {  	[tilespmem:s7], [sflag:$0x2] =	stream.indirect_vreg.gather [hbm4b:s2+s3], $0x80, v4, vm0, $0xb8;
	[tilespmem:$0x10200] =	vst v63  }
0x16f: {  	s16 =	simm.s32 $0xFA00  }
0x170: {  	[tilespmem:s16], [sflag:$0x2] =	stream.indirect_vreg.gather [hbm4b:s2+s3], $0x80, v3, vm0, $0xb8;
	[tilespmem:$0x10200] =	vst v63  }
0x171: {  	_ =	swait.ge [sflag:s4], $0x8000  }
0x172: {  	[sflag:s4] =	ssyncset.done $0x0  }
0x173: {  	s12 =	simm.s32 $0x200;
	s7 =	rddreg [dreg:$0x6];
	[sflag:s4] =	ssyncadd.s32 $0xFFFF8000  }
0x174: {  	[hbm4b:s7+s3] =	stream.linear.scatter [tilespmem:s12], [sflag:$0x3], $0x8000, $0x38;
	[tilespmem:$0x10200] =	vst v63  }
0x175: {  	_ =	swait.ge [sflag:s6], $0x8000  }
0x176: {  	[sflag:s6] =	ssyncset.done $0x0  }
0x177: {  	[sflag:s6] =	ssyncadd.s32 $0xFFFF8000  }
0x178: {  	_ =	swait.ge [sflag:s15], $0x8000  }
0x179: {  	p0 =	sne.s32 s5, $0x1;
	[sflag:s15] =	ssyncset.done $0x0  }
.Ltmp0:
0x17a: {  	s12 =	rddreg [dreg:$0x7];
	[sflag:s15] =	ssyncadd.s32 $0xFFFF8000;
	(pc) =	sbr.rel @p0 .LBB2_1-.Ltmp0, $4  }
0x17b: {  	[hbm4b:s12+s3] =	stream.linear.scatter [tilespmem:s0], [sflag:$0x3], $0x8000, $0x38;
	[tilespmem:$0x10200] =	vst v63  }
0x17c: {  	_ =	swait.ge [sflag:s6], $0x8000  }
0x17d: {  	[sflag:s6] =	ssyncset.done $0x0  }
0x17e: {  	s5 =	sadd.s32 $0xFFFFFFFF, s5;
	[sflag:s6] =	ssyncadd.s32 $0xFFFF8000  }
0x17f: {  	_ =	sfence.sel $0x180000  }
0x180: {  	[bflag:$0x0] =	sbarrier.arrive $0xFFFF  }
0x181: {  	_ =	strace $0x90000047  }
0x182: {  	s0 =	stileid.u32;
	[bflag:$0x2] =	sbarrier.arrive $0xFFFF  }
0x183: {  	p0 =	sne.s32 s0, $0x0;
	s0 =	rddreg [dreg:$0x3]  }
0x184: {  	s0 =	sadd.s32 @!p0 $0x100000, s0  }
0x185: {  	[sflag:s0] =	ssyncadd.tile.s32 @!p0 $0x1;
	_ =	shalt  }
.Lfunc_end2:
_tile_overlayer_lowered:
.L_overlay_start_2:
0x186: {  	(tag) =	ssettag $0x2  }
0x187: {  	s0 =	rddreg [dreg:$0x0];
	s2 =	stileid.u32  }
0x188: {  	s1 =	rddreg [dreg:$0x1];
	p0 =	sne.s32 s2, $0x0  }
0x189: {  	s3 =	rddreg [dreg:$0x2];
	[bflag:$0x3] =	sbarrier.arrive $0xFFFF;
	s2 =	simm.s32 @!p0 $0x1C03  }
0x18a: {  	[timem:s3], [sflag:s2] =	dma.local @!p0 [hbm:s0], s1  }
0x18b: {  	s0 =	simm.s32 @!p0 $0x3  }
0x18c: {  	_ =	swait.ge @!p0 [sflag:s0], s1  }
0x18d: {  	s1 =	ssub.s32 @!p0 $0x0, s1;
	[sflag:s0] =	ssyncset.done @!p0 $0x0  }
0x18e: {  	[sflag:s0] =	ssyncadd.s32 @!p0 s1  }
0x18f: {  	[bflag:$0x3] =	sbarrier.arrive $0xFFFF  }
0x190: {  	_ =	shalt  }

</sc_bundles>
